<compile_context>
chip_gen: v7x
topology: tpu7x:2x2x1
jax: 0.10.2.dev20260603
libtpu: 0.0.44.dev20260713+nightly
codegen_flags: <defaults>
</compile_context>

<pallas_src>
import functools

import jax
import jax.numpy as jnp
from jax import lax
from jax.experimental import pallas as pl
from jax.experimental.pallas import tpu as pltpu
from jax.experimental.pallas import tpu_sc as plsc

D_MODEL = 768
N_EXP = 16
FFN = 1152
N_TOK = 4096
TM = 128
NT = 48
S = NT * TM
PLAN = 64
NW = 32
EC = N_TOK // NW


def _plan_body(x_ref, wr_ref, dst_ref, plan_ref, aux_ref):
    x = x_ref[...]
    wr = wr_ref[...]
    logits = lax.dot_general(x, wr, (((1,), (1,)), ((), ())),
                             preferred_element_type=jnp.float32)
    eidx = lax.broadcasted_iota(jnp.int32, (N_TOK, N_EXP), 1)
    rowmax = jnp.max(logits, axis=1, keepdims=True)
    eid = jnp.min(jnp.where(logits == rowmax, eidx, N_EXP), axis=1, keepdims=True)
    onehot = (eidx == eid).astype(jnp.float32)
    c = onehot
    k = 1
    while k < N_TOK:
        c = c + jnp.concatenate(
            [jnp.zeros((k, N_EXP), jnp.float32), c[:-k, :]], axis=0)
        k *= 2
    counts_i = c[N_TOK - 1:N_TOK, :].astype(jnp.int32)
    padded_i = ((counts_i + (TM - 1)) >> 7) << 7
    padded_f = padded_i.astype(jnp.float32)
    emask = (lax.broadcasted_iota(jnp.int32, (N_EXP, N_EXP), 0) <
             lax.broadcasted_iota(jnp.int32, (N_EXP, N_EXP), 1)).astype(jnp.float32)
    pstart = lax.dot_general(padded_f, emask, (((1,), (0,)), ((), ())),
                             preferred_element_type=jnp.float32)
    na = jnp.sum(padded_i) >> 7
    rank = jnp.sum(onehot * c, axis=1)
    start_t = jnp.sum(onehot * pstart, axis=1)
    dst_ref[...] = (start_t + rank - 1.0).astype(jnp.int32)
    ii = lax.broadcasted_iota(jnp.int32, (PLAN, N_EXP), 0)
    ic = jnp.minimum(ii, na - 1)
    s_f = (ic << 7).astype(jnp.float32)
    teC = jnp.sum((pstart <= s_f).astype(jnp.float32), axis=1,
                  keepdims=True) - 1.0
    row = jnp.min(ii, axis=1)
    plan_ref[...] = jnp.where(row < NT, teC[:, 0].astype(jnp.int32), na)
    i0 = lax.broadcasted_iota(jnp.int32, (PLAN, PLAN), 0)
    i1 = lax.broadcasted_iota(jnp.int32, (PLAN, PLAN), 1)
    ident = (i0 == i1).astype(jnp.float32)
    ltr = (i0 <= i1).astype(jnp.float32)
    teR = lax.dot_general(teC, ident, (((0,), (0,)), ((), ())))
    prevR = jnp.concatenate([teR[:, :1] + 1.0, teR[:, :-1]], axis=1)
    transR = (jnp.abs(teR - prevR) > 0.5).astype(jnp.float32)
    tidR = lax.dot_general(transR, ltr, (((1,), (0,)), ((), ()))) - 1.0
    m_s = jnp.max(tidR) + 1.0
    transC = lax.dot_general(ident, transR, (((1,), (1,)), ((), ())))
    tidC = lax.dot_general(ident, tidR, (((1,), (1,)), ((), ())))
    jcol = i1.astype(jnp.float32)
    kmat = (jnp.abs(tidC - jcol) < 0.5).astype(jnp.float32) * transC
    eotR = lax.dot_general(teR, kmat, (((1,), (0,)), ((), ())))
    gmat = (jnp.abs(jcol - (tidC + 2.0)) < 0.5).astype(jnp.float32)
    nxtC = lax.dot_general(gmat, eotR, (((1,), (1,)), ((), ())))
    validC = (tidC < m_s - 2.5).astype(jnp.float32)
    tbool = transC > 0.5
    rowC = jnp.min(ii, axis=1, keepdims=True)
    eot1 = jnp.sum(eotR * (jnp.abs(jcol[:1, :] - 1.0) < 0.5).astype(jnp.float32))
    eot2 = jnp.sum(eotR * (jnp.abs(jcol[:1, :] - 2.0) < 0.5).astype(jnp.float32))
    fe1C = jnp.where(tbool & (validC > 0.5), nxtC, -1.0)
    fe1C = jnp.where(rowC == 0,
                     jnp.where(m_s > 1.5, eot1, -1.0), fe1C)
    slotC = tidC.astype(jnp.int32) % 3
    fs1C = jnp.where(rowC == 0, 1, (slotC + 2) % 3)
    fe2C = jnp.where((rowC == 0) & (m_s > 2.5), eot2, -1.0)
    aux = jnp.concatenate(
        [slotC.astype(jnp.float32), fe1C, fs1C.astype(jnp.float32), fe2C,
         transC], axis=1)
    aux_ref[...] = aux.astype(jnp.int32)


def _plan(x2d, wr):
    return pl.pallas_call(
        _plan_body,
        out_shape=(
            jax.ShapeDtypeStruct((N_TOK,), jnp.int32),
            jax.ShapeDtypeStruct((PLAN,), jnp.int32),
            jax.ShapeDtypeStruct((PLAN, 5), jnp.int32),
        ),
    )(x2d, wr)


def _ffn_body(plan_ref, aux_ref, xg_ref, wg_hbm, wu_hbm, wd_hbm, ys_ref,
              wg_st, wu_st, wd_st, wg_b, wu_b, wd_b, sems):
    i = pl.program_id(0)
    na = plan_ref[NT]
    slot = aux_ref[i, 0]
    fe1 = aux_ref[i, 1]
    fs1 = aux_ref[i, 2]
    fe2 = aux_ref[i, 3]
    trans = aux_ref[i, 4]

    @pl.when(i == 0)
    def _():
        e0 = plan_ref[0]
        pltpu.make_async_copy(wg_hbm.at[e0], wg_st.at[0], sems.at[0, 0]).start()
        pltpu.make_async_copy(wu_hbm.at[e0], wu_st.at[0], sems.at[1, 0]).start()
        pltpu.make_async_copy(wd_hbm.at[e0], wd_st.at[0], sems.at[2, 0]).start()

    @pl.when(fe1 >= 0)
    def _():
        pltpu.make_async_copy(
            wg_hbm.at[fe1], wg_st.at[fs1], sems.at[0, fs1]).start()
        pltpu.make_async_copy(
            wu_hbm.at[fe1], wu_st.at[fs1], sems.at[1, fs1]).start()
        pltpu.make_async_copy(
            wd_hbm.at[fe1], wd_st.at[fs1], sems.at[2, fs1]).start()

    @pl.when(fe2 >= 0)
    def _():
        pltpu.make_async_copy(wg_hbm.at[fe2], wg_st.at[2], sems.at[0, 2]).start()
        pltpu.make_async_copy(wu_hbm.at[fe2], wu_st.at[2], sems.at[1, 2]).start()
        pltpu.make_async_copy(wd_hbm.at[fe2], wd_st.at[2], sems.at[2, 2]).start()

    @pl.when(trans == 1)
    def _():
        pltpu.make_async_copy(wg_hbm.at[0], wg_st.at[slot], sems.at[0, slot]).wait()
        pltpu.make_async_copy(wu_hbm.at[0], wu_st.at[slot], sems.at[1, slot]).wait()
        pltpu.make_async_copy(wd_hbm.at[0], wd_st.at[slot], sems.at[2, slot]).wait()
        wg_b[...] = wg_st[slot].astype(jnp.bfloat16)
        wu_b[...] = wu_st[slot].astype(jnp.bfloat16)
        wd_b[...] = wd_st[slot].astype(jnp.bfloat16)

    @pl.when(i < na)
    def _():
        xb = xg_ref[...].astype(jnp.bfloat16)
        g = lax.dot_general(xb, wg_b[...], (((1,), (1,)), ((), ())),
                            preferred_element_type=jnp.float32)
        u = lax.dot_general(xb, wu_b[...], (((1,), (1,)), ((), ())),
                            preferred_element_type=jnp.float32)
        h = g * (1.0 / (1.0 + jnp.exp(-g))) * u
        o = lax.dot_general(h.astype(jnp.bfloat16), wd_b[...],
                            (((1,), (1,)), ((), ())),
                            preferred_element_type=jnp.float32)
        ys_ref[...] = o


def _ffn(plan, aux, xg, Wg, Wu, Wd):
    grid_spec = pltpu.PrefetchScalarGridSpec(
        num_scalar_prefetch=2,
        grid=(NT,),
        in_specs=[
            pl.BlockSpec((TM, D_MODEL), lambda i, p, a: (i, 0)),
            pl.BlockSpec(memory_space=pltpu.HBM),
            pl.BlockSpec(memory_space=pltpu.HBM),
            pl.BlockSpec(memory_space=pltpu.HBM),
        ],
        out_specs=pl.BlockSpec((TM, D_MODEL), lambda i, p, a: (i, 0)),
        scratch_shapes=[
            pltpu.VMEM((3, FFN, D_MODEL), jnp.float32),
            pltpu.VMEM((3, FFN, D_MODEL), jnp.float32),
            pltpu.VMEM((3, D_MODEL, FFN), jnp.float32),
            pltpu.VMEM((FFN, D_MODEL), jnp.bfloat16),
            pltpu.VMEM((FFN, D_MODEL), jnp.bfloat16),
            pltpu.VMEM((D_MODEL, FFN), jnp.bfloat16),
            pltpu.SemaphoreType.DMA((3, 3)),
        ],
    )
    return pl.pallas_call(
        _ffn_body,
        grid_spec=grid_spec,
        out_shape=jax.ShapeDtypeStruct((S, D_MODEL), jnp.float32),
        compiler_params=pltpu.CompilerParams(
            vmem_limit_bytes=100 * 1024 * 1024),
    )(plan, aux, xg, Wg, Wu, Wd)


def _sc_mesh():
    return plsc.VectorSubcoreMesh(
        core_axis_name="c", subcore_axis_name="s", num_cores=2)


def _sc_gather_body(x_hbm, dst_hbm, xg_hbm, idx_v, rows_v, sem):
    wid = lax.axis_index("s") * 2 + lax.axis_index("c")
    base = wid * EC
    pltpu.sync_copy(dst_hbm.at[pl.ds(base, EC)], idx_v)
    pltpu.async_copy(x_hbm.at[pl.ds(base, EC)], rows_v, sem).wait()
    pltpu.sync_copy(rows_v, xg_hbm.at[idx_v])


def _sc_combine_body(ys_hbm, dst_hbm, y_hbm, idx_v, rows_v, sem):
    wid = lax.axis_index("s") * 2 + lax.axis_index("c")
    base = wid * EC
    pltpu.sync_copy(dst_hbm.at[pl.ds(base, EC)], idx_v)
    pltpu.async_copy(ys_hbm.at[idx_v], rows_v, sem).wait()
    pltpu.sync_copy(rows_v, y_hbm.at[pl.ds(base, EC)])


@functools.lru_cache(maxsize=None)
def _sc_kernels():
    mesh = _sc_mesh()
    params = pltpu.CompilerParams(needs_layout_passes=False)
    gather = pl.kernel(
        _sc_gather_body,
        mesh=mesh,
        compiler_params=params,
        out_type=jax.ShapeDtypeStruct((S, D_MODEL), jnp.float32),
        scratch_types=[
            pltpu.VMEM((EC,), jnp.int32),
            pltpu.VMEM((EC, D_MODEL), jnp.float32),
            pltpu.SemaphoreType.DMA,
        ],
    )
    combine = pl.kernel(
        _sc_combine_body,
        mesh=mesh,
        compiler_params=params,
        out_type=jax.ShapeDtypeStruct((N_TOK, D_MODEL), jnp.float32),
        scratch_types=[
            pltpu.VMEM((EC,), jnp.int32),
            pltpu.VMEM((EC, D_MODEL), jnp.float32),
            pltpu.SemaphoreType.DMA,
        ],
    )
    return gather, combine


def kernel(x, Wr, Wg, Wu, Wd):
    B, L, D = x.shape
    x2d = x.reshape(B * L, D)
    sc_gather, sc_combine = _sc_kernels()
    dst, plan, aux = _plan(x2d, Wr)
    xg = sc_gather(x2d, dst)
    ys = _ffn(plan, aux, xg, Wg, Wu, Wd)
    y2d = sc_combine(ys, dst)
    return y2d.reshape(B, L, D)

# --- scband reference (transcript-rebuilt; emitter-appended) ---
"""Pipeline reference for scband-mo-elayer-6923487282556 (READ-ONLY COPY).

The authoritative reference and input builder live on the scoring server;
editing this copy changes nothing except your own understanding.
"""

import jax, jax.numpy as jnp
import numpy as np

D_MODEL = 768
N_EXPERTS = 16
TOP_K = 1
FFN_HIDDEN = int(D_MODEL * 1.5)


def setup_inputs(seed: int = 0) -> dict:
    key = jax.random.key(seed)
    k1, k2, k3, k4, k5 = jax.random.split(key, 5)
    x = jax.random.normal(k1, (1, 4096, D_MODEL), dtype=jnp.float32)
    Wr = jax.random.normal(k2, (N_EXPERTS, D_MODEL), dtype=jnp.float32) * (D_MODEL ** -0.5)
    Wg = jax.random.normal(k3, (N_EXPERTS, FFN_HIDDEN, D_MODEL), dtype=jnp.float32) * (D_MODEL ** -0.5)
    Wu = jax.random.normal(k4, (N_EXPERTS, FFN_HIDDEN, D_MODEL), dtype=jnp.float32) * (D_MODEL ** -0.5)
    Wd = jax.random.normal(k5, (N_EXPERTS, D_MODEL, FFN_HIDDEN), dtype=jnp.float32) * (FFN_HIDDEN ** -0.5)
    return {"x": x, "Wr": Wr, "Wg": Wg, "Wu": Wu, "Wd": Wd}


def reference(x, Wr, Wg, Wu, Wd):
    B, L, D = x.shape
    x_flat = x.reshape(-1, D)
    router_logits = x_flat @ Wr.T
    router_probs = jax.nn.softmax(router_logits, axis=-1)
    top_k_probs, top_k_indices = jax.lax.top_k(router_probs, TOP_K)
    top_k_probs = top_k_probs / jnp.sum(top_k_probs, axis=-1, keepdims=True)
    # aux load-balancing loss (computed for faithfulness; stored, not returned by fwd)
    tokens_per_expert = jnp.zeros((N_EXPERTS,), dtype=jnp.float32)
    for i in range(N_EXPERTS):
        tokens_per_expert = tokens_per_expert.at[i].set(jnp.sum((top_k_indices == i).astype(jnp.float32)))
    tokens_per_expert = tokens_per_expert / (B * L)
    avg_probs = jnp.mean(router_probs, axis=0)
    aux_loss = jnp.sum(tokens_per_expert * avg_probs) * N_EXPERTS  # noqa: F841
    output = jnp.zeros_like(x_flat)
    for k in range(TOP_K):
        expert_idx = top_k_indices[:, k]
        weight = top_k_probs[:, k][:, None]
        for i in range(N_EXPERTS):
            mask = (expert_idx == i).astype(x_flat.dtype)[:, None]
            gate = jax.nn.silu(x_flat @ Wg[i].T)
            up = x_flat @ Wu[i].T
            expert_out = (gate * up) @ Wd[i].T
            output = output + mask * weight * expert_out
    # dropout p=0.0 -> identity
    return output.reshape(B, L, D)

if __name__ == "__main__":
    import jax
    _d = setup_inputs()
    print(jax.jit(kernel)(*tuple(_d.values())))

</pallas_src>

<mosaic_0001>
#map = affine_map<(d0, d1) -> (0, 0)>
#map1 = affine_map<(d0, d1) -> (0)>
module attributes {stable_mosaic.version = 14 : i64} {
  func.func @_sc_combine_body(%arg0: i32, %arg1: i32, %arg2: memref<6144x768xf32, #tpu.memory_space<hbm>>, %arg3: memref<4096xi32, #tpu.memory_space<hbm>>, %arg4: memref<4096x768xf32, #tpu.memory_space<hbm>>, %arg5: memref<128xi32, #tpu.memory_space<vmem>>, %arg6: memref<128x768xf32, #tpu.memory_space<vmem>>, %arg7: memref<!tpu.dma_semaphore, #tpu.memory_space<semaphore_mem>>) attributes {dimension_semantics = [#tpu.dimension_semantics<core_parallel>, #tpu.dimension_semantics<subcore_parallel>], iteration_bounds = array<i64: 2, 16>, scalar_prefetch = 0 : i64, scratch_operands = 3 : i64, tpu.core_type = #tpu.core_type<sc_vector_subcore>, window_params = [{transform_indices = #map}, {transform_indices = #map1}, {transform_indices = #map}]} {
    %mul3A = arith.constant 2 : i32
    %mul3A_0 = arith.muli %arg1, %mul3A : i32
    %add3A = arith.addi %mul3A_0, %arg0 : i32
    %mul3A_1 = arith.constant 128 : i32
    %mul3A_2 = arith.muli %add3A, %mul3A_1 : i32
    "tpu.region"() ({
      %run_scoped3A = tpu.sem_alloc : memref<!tpu.dma_semaphore, #tpu.memory_space<semaphore_mem>>
      %dma_start3A_7 = tpu.memref_slice %arg3[%mul3A_2] : memref<4096xi32, #tpu.memory_space<hbm>> -> memref<128xi32, #tpu.memory_space<hbm>>
      %dma_start3A_8 = tpu.memref_slice %arg3[%mul3A_2] : memref<4096xi32, #tpu.memory_space<hbm>> -> memref<128xi32, #tpu.memory_space<hbm>>
      tpu.enqueue_dma source(%dma_start3A_8 : memref<128xi32, #tpu.memory_space<hbm>>) target(%arg5 : memref<128xi32, #tpu.memory_space<vmem>>) target_semaphore(%run_scoped3A : memref<!tpu.dma_semaphore, #tpu.memory_space<semaphore_mem>>)
      %dma_wait3A_9 = tpu.memref_slice %arg3[%mul3A_2] : memref<4096xi32, #tpu.memory_space<hbm>> -> memref<128xi32, #tpu.memory_space<hbm>>
      %dma_wait3A_10 = tpu.memref_slice %arg3[%mul3A_2] : memref<4096xi32, #tpu.memory_space<hbm>> -> memref<128xi32, #tpu.memory_space<hbm>>
      tpu.wait_dma2 semaphore(%run_scoped3A : memref<!tpu.dma_semaphore, #tpu.memory_space<semaphore_mem>>) src(%dma_wait3A_10 : memref<128xi32, #tpu.memory_space<hbm>>) dst(%arg5 : memref<128xi32, #tpu.memory_space<vmem>>)
      tpu.yield
    }) : () -> ()
    %dma_start3A = arith.constant 0 : i32
    %dma_start3A_3 = arith.constant 0 : i32
    %dma_start3A_4 = tpu.memref_slice %arg2[%dma_start3A, %dma_start3A_3] : memref<6144x768xf32, #tpu.memory_space<hbm>> -> memref<6144x768xf32, #tpu.memory_space<hbm>>
    tpu.enqueue_indirect_dma source(%dma_start3A_4 : memref<6144x768xf32, #tpu.memory_space<hbm>>) target(%arg6 : memref<128x768xf32, #tpu.memory_space<vmem>>) offsets(%arg5 : memref<128xi32, #tpu.memory_space<vmem>>) semaphore(%arg7 : memref<!tpu.dma_semaphore, #tpu.memory_space<semaphore_mem>>)
    %dma_wait3A = arith.constant 0 : i32
    %dma_wait3A_5 = arith.constant 0 : i32
    %dma_wait3A_6 = tpu.memref_slice %arg2[%dma_wait3A, %dma_wait3A_5] : memref<6144x768xf32, #tpu.memory_space<hbm>> -> memref<6144x768xf32, #tpu.memory_space<hbm>>
    tpu.wait_indirect_dma semaphore(%arg7 : memref<!tpu.dma_semaphore, #tpu.memory_space<semaphore_mem>>) src(%dma_wait3A_6 : memref<6144x768xf32, #tpu.memory_space<hbm>>) dst(%arg6 : memref<128x768xf32, #tpu.memory_space<vmem>>)
    "tpu.region"() ({
      %run_scoped3A = tpu.sem_alloc : memref<!tpu.dma_semaphore, #tpu.memory_space<semaphore_mem>>
      %dma_start3A_7 = arith.constant 0 : i32
      %dma_start3A_8 = tpu.memref_slice %arg4[%mul3A_2, %dma_start3A_7] : memref<4096x768xf32, #tpu.memory_space<hbm>> -> memref<128x768xf32, #tpu.memory_space<hbm>>
      %dma_start3A_9 = arith.constant 0 : i32
      %dma_start3A_10 = tpu.memref_slice %arg4[%mul3A_2, %dma_start3A_9] : memref<4096x768xf32, #tpu.memory_space<hbm>> -> memref<128x768xf32, #tpu.memory_space<hbm>>
      tpu.enqueue_dma source(%arg6 : memref<128x768xf32, #tpu.memory_space<vmem>>) target(%dma_start3A_10 : memref<128x768xf32, #tpu.memory_space<hbm>>) target_semaphore(%run_scoped3A : memref<!tpu.dma_semaphore, #tpu.memory_space<semaphore_mem>>)
      %dma_wait3A_11 = arith.constant 0 : i32
      %dma_wait3A_12 = tpu.memref_slice %arg4[%mul3A_2, %dma_wait3A_11] : memref<4096x768xf32, #tpu.memory_space<hbm>> -> memref<128x768xf32, #tpu.memory_space<hbm>>
      %dma_wait3A_13 = arith.constant 0 : i32
      %dma_wait3A_14 = tpu.memref_slice %arg4[%mul3A_2, %dma_wait3A_13] : memref<4096x768xf32, #tpu.memory_space<hbm>> -> memref<128x768xf32, #tpu.memory_space<hbm>>
      tpu.wait_dma2 semaphore(%run_scoped3A : memref<!tpu.dma_semaphore, #tpu.memory_space<semaphore_mem>>) src(%arg6 : memref<128x768xf32, #tpu.memory_space<vmem>>) dst(%dma_wait3A_14 : memref<128x768xf32, #tpu.memory_space<hbm>>)
      tpu.yield
    }) : () -> ()
    return
  }
}

#map = affine_map<(d0, d1) -> (0, 0)>
#map1 = affine_map<(d0, d1) -> (0)>
module attributes {stable_mosaic.version = 14 : i64} {
  func.func @_sc_gather_body(%arg0: i32, %arg1: i32, %arg2: memref<4096x768xf32, #tpu.memory_space<hbm>>, %arg3: memref<4096xi32, #tpu.memory_space<hbm>>, %arg4: memref<6144x768xf32, #tpu.memory_space<hbm>>, %arg5: memref<128xi32, #tpu.memory_space<vmem>>, %arg6: memref<128x768xf32, #tpu.memory_space<vmem>>, %arg7: memref<!tpu.dma_semaphore, #tpu.memory_space<semaphore_mem>>) attributes {dimension_semantics = [#tpu.dimension_semantics<core_parallel>, #tpu.dimension_semantics<subcore_parallel>], iteration_bounds = array<i64: 2, 16>, scalar_prefetch = 0 : i64, scratch_operands = 3 : i64, tpu.core_type = #tpu.core_type<sc_vector_subcore>, window_params = [{transform_indices = #map}, {transform_indices = #map1}, {transform_indices = #map}]} {
    %mul3A = arith.constant 2 : i32
    %mul3A_0 = arith.muli %arg1, %mul3A : i32
    %add3A = arith.addi %mul3A_0, %arg0 : i32
    %mul3A_1 = arith.constant 128 : i32
    %mul3A_2 = arith.muli %add3A, %mul3A_1 : i32
    "tpu.region"() ({
      %run_scoped3A = tpu.sem_alloc : memref<!tpu.dma_semaphore, #tpu.memory_space<semaphore_mem>>
      %dma_start3A_9 = tpu.memref_slice %arg3[%mul3A_2] : memref<4096xi32, #tpu.memory_space<hbm>> -> memref<128xi32, #tpu.memory_space<hbm>>
      %dma_start3A_10 = tpu.memref_slice %arg3[%mul3A_2] : memref<4096xi32, #tpu.memory_space<hbm>> -> memref<128xi32, #tpu.memory_space<hbm>>
      tpu.enqueue_dma source(%dma_start3A_10 : memref<128xi32, #tpu.memory_space<hbm>>) target(%arg5 : memref<128xi32, #tpu.memory_space<vmem>>) target_semaphore(%run_scoped3A : memref<!tpu.dma_semaphore, #tpu.memory_space<semaphore_mem>>)
      %dma_wait3A_11 = tpu.memref_slice %arg3[%mul3A_2] : memref<4096xi32, #tpu.memory_space<hbm>> -> memref<128xi32, #tpu.memory_space<hbm>>
      %dma_wait3A_12 = tpu.memref_slice %arg3[%mul3A_2] : memref<4096xi32, #tpu.memory_space<hbm>> -> memref<128xi32, #tpu.memory_space<hbm>>
      tpu.wait_dma2 semaphore(%run_scoped3A : memref<!tpu.dma_semaphore, #tpu.memory_space<semaphore_mem>>) src(%dma_wait3A_12 : memref<128xi32, #tpu.memory_space<hbm>>) dst(%arg5 : memref<128xi32, #tpu.memory_space<vmem>>)
      tpu.yield
    }) : () -> ()
    %dma_start3A = arith.constant 0 : i32
    %dma_start3A_3 = tpu.memref_slice %arg2[%mul3A_2, %dma_start3A] : memref<4096x768xf32, #tpu.memory_space<hbm>> -> memref<128x768xf32, #tpu.memory_space<hbm>>
    %dma_start3A_4 = arith.constant 0 : i32
    %dma_start3A_5 = tpu.memref_slice %arg2[%mul3A_2, %dma_start3A_4] : memref<4096x768xf32, #tpu.memory_space<hbm>> -> memref<128x768xf32, #tpu.memory_space<hbm>>
    tpu.enqueue_dma source(%dma_start3A_5 : memref<128x768xf32, #tpu.memory_space<hbm>>) target(%arg6 : memref<128x768xf32, #tpu.memory_space<vmem>>) target_semaphore(%arg7 : memref<!tpu.dma_semaphore, #tpu.memory_space<semaphore_mem>>)
    %dma_wait3A = arith.constant 0 : i32
    %dma_wait3A_6 = tpu.memref_slice %arg2[%mul3A_2, %dma_wait3A] : memref<4096x768xf32, #tpu.memory_space<hbm>> -> memref<128x768xf32, #tpu.memory_space<hbm>>
    %dma_wait3A_7 = arith.constant 0 : i32
    %dma_wait3A_8 = tpu.memref_slice %arg2[%mul3A_2, %dma_wait3A_7] : memref<4096x768xf32, #tpu.memory_space<hbm>> -> memref<128x768xf32, #tpu.memory_space<hbm>>
    tpu.wait_dma2 semaphore(%arg7 : memref<!tpu.dma_semaphore, #tpu.memory_space<semaphore_mem>>) src(%dma_wait3A_8 : memref<128x768xf32, #tpu.memory_space<hbm>>) dst(%arg6 : memref<128x768xf32, #tpu.memory_space<vmem>>)
    "tpu.region"() ({
      %run_scoped3A = tpu.sem_alloc : memref<!tpu.dma_semaphore, #tpu.memory_space<semaphore_mem>>
      %dma_start3A_9 = arith.constant 0 : i32
      %dma_start3A_10 = arith.constant 0 : i32
      %dma_start3A_11 = tpu.memref_slice %arg4[%dma_start3A_9, %dma_start3A_10] : memref<6144x768xf32, #tpu.memory_space<hbm>> -> memref<6144x768xf32, #tpu.memory_space<hbm>>
      tpu.enqueue_indirect_dma source(%arg6 : memref<128x768xf32, #tpu.memory_space<vmem>>) target(%dma_start3A_11 : memref<6144x768xf32, #tpu.memory_space<hbm>>) offsets(%arg5 : memref<128xi32, #tpu.memory_space<vmem>>) semaphore(%run_scoped3A : memref<!tpu.dma_semaphore, #tpu.memory_space<semaphore_mem>>)
      %dma_wait3A_12 = arith.constant 0 : i32
      %dma_wait3A_13 = arith.constant 0 : i32
      %dma_wait3A_14 = tpu.memref_slice %arg4[%dma_wait3A_12, %dma_wait3A_13] : memref<6144x768xf32, #tpu.memory_space<hbm>> -> memref<6144x768xf32, #tpu.memory_space<hbm>>
      tpu.wait_indirect_dma semaphore(%run_scoped3A : memref<!tpu.dma_semaphore, #tpu.memory_space<semaphore_mem>>) src(%arg6 : memref<128x768xf32, #tpu.memory_space<vmem>>) dst(%dma_wait3A_14 : memref<6144x768xf32, #tpu.memory_space<hbm>>)
      tpu.yield
    }) : () -> ()
    return
  }
}

module attributes {stable_mosaic.version = 14 : i64} {
  func.func @_plan_body(%arg0: memref<4096x768xf32, #tpu.memory_space<vmem>>, %arg1: memref<16x768xf32, #tpu.memory_space<vmem>>, %arg2: memref<4096xi32, #tpu.memory_space<vmem>>, %arg3: memref<64xi32, #tpu.memory_space<vmem>>, %arg4: memref<64x5xi32, #tpu.memory_space<vmem>>) attributes {dimension_semantics = [], scalar_prefetch = 0 : i64, scratch_operands = 0 : i64, tpu.core_type = #tpu.core_type<tc>} {
    %get3A = arith.constant 0 : index
    %get3A_0 = arith.constant 0 : index
    %get3A_1 = vector.load %arg0[%get3A, %get3A_0] : memref<4096x768xf32, #tpu.memory_space<vmem>>, vector<4096x768xf32>
    %get3A_2 = arith.constant 0 : index
    %get3A_3 = arith.constant 0 : index
    %get3A_4 = vector.load %arg1[%get3A_2, %get3A_3] : memref<16x768xf32, #tpu.memory_space<vmem>>, vector<16x768xf32>
    %dot_general3A = arith.constant dense<0.000000e+00> : vector<4096x16xf32>
    %dot_general3A_5 = tpu.matmul %get3A_1, %get3A_4, %dot_general3A {dimension_numbers = #tpu.dot_dimension_numbers<[1], [1], [0], [0], [0, 0, 1, 0], [], []>, transpose_lhs_hint = false} : vector<4096x768xf32>, vector<16x768xf32>, vector<4096x16xf32> -> vector<4096x16xf32>
    %iota3A = tpu.iota {dimensions = array<i32: 1>} : vector<4096x16xi32>
    %reduce_max3A = arith.constant dense<0xFF800000> : vector<4096xf32>
    %reduce_max3A_6 = vector.multi_reduction <maximumf>, %dot_general3A_5, %reduce_max3A [1] : vector<4096x16xf32> to vector<4096xf32>
    %broadcast_in_dim3A = vector.shape_cast %reduce_max3A_6 : vector<4096xf32> to vector<4096x1xf32>
    %eq3A = vector.broadcast %broadcast_in_dim3A : vector<4096x1xf32> to vector<4096x16xf32>
    %eq3A_7 = arith.cmpf oeq, %dot_general3A_5, %eq3A : vector<4096x16xf32>
    %jit3A = arith.constant 16 : i32
    %broadcast_in_dim3A_8 = vector.broadcast %jit3A : i32 to vector<4096x16xi32>
    %select_n3A = arith.select %eq3A_7, %iota3A, %broadcast_in_dim3A_8 : vector<4096x16xi1>, vector<4096x16xi32>
    %reduce_min3A = arith.constant dense<2147483647> : vector<4096xi32>
    %reduce_min3A_9 = vector.multi_reduction <minsi>, %select_n3A, %reduce_min3A [1] : vector<4096x16xi32> to vector<4096xi32>
    %broadcast_in_dim3A_10 = vector.shape_cast %reduce_min3A_9 : vector<4096xi32> to vector<4096x1xi32>
    %eq3A_11 = vector.broadcast %broadcast_in_dim3A_10 : vector<4096x1xi32> to vector<4096x16xi32>
    %eq3A_12 = arith.cmpi eq, %iota3A, %eq3A_11 : vector<4096x16xi32>
    %convert_element_type3A = arith.extui %eq3A_12 : vector<4096x16xi1> to vector<4096x16xi32>
    %convert_element_type3A_13 = arith.sitofp %convert_element_type3A : vector<4096x16xi32> to vector<4096x16xf32>
    %broadcast_in_dim3A_14 = arith.constant 0.000000e+00 : f32
    %broadcast_in_dim3A_15 = vector.broadcast %broadcast_in_dim3A_14 : f32 to vector<1x16xf32>
    %slice3A = vector.extract_strided_slice %convert_element_type3A_13 {offsets = [0, 0], sizes = [4095, 16], strides = [1, 1]} : vector<4096x16xf32> to vector<4095x16xf32>
    %concatenate3A = tpu.concatenate %broadcast_in_dim3A_15, %slice3A in 0 : vector<1x16xf32>, vector<4095x16xf32> -> vector<4096x16xf32>
    %add3A = arith.addf %convert_element_type3A_13, %concatenate3A : vector<4096x16xf32>
    %broadcast_in_dim3A_16 = arith.constant 0.000000e+00 : f32
    %broadcast_in_dim3A_17 = vector.broadcast %broadcast_in_dim3A_16 : f32 to vector<2x16xf32>
    %slice3A_18 = vector.extract_strided_slice %add3A {offsets = [0, 0], sizes = [4094, 16], strides = [1, 1]} : vector<4096x16xf32> to vector<4094x16xf32>
    %concatenate3A_19 = tpu.concatenate %broadcast_in_dim3A_17, %slice3A_18 in 0 : vector<2x16xf32>, vector<4094x16xf32> -> vector<4096x16xf32>
    %add3A_20 = arith.addf %add3A, %concatenate3A_19 : vector<4096x16xf32>
    %broadcast_in_dim3A_21 = arith.constant 0.000000e+00 : f32
    %broadcast_in_dim3A_22 = vector.broadcast %broadcast_in_dim3A_21 : f32 to vector<4x16xf32>
    %slice3A_23 = vector.extract_strided_slice %add3A_20 {offsets = [0, 0], sizes = [4092, 16], strides = [1, 1]} : vector<4096x16xf32> to vector<4092x16xf32>
    %concatenate3A_24 = tpu.concatenate %broadcast_in_dim3A_22, %slice3A_23 in 0 : vector<4x16xf32>, vector<4092x16xf32> -> vector<4096x16xf32>
    %add3A_25 = arith.addf %add3A_20, %concatenate3A_24 : vector<4096x16xf32>
    %broadcast_in_dim3A_26 = arith.constant 0.000000e+00 : f32
    %broadcast_in_dim3A_27 = vector.broadcast %broadcast_in_dim3A_26 : f32 to vector<8x16xf32>
    %slice3A_28 = vector.extract_strided_slice %add3A_25 {offsets = [0, 0], sizes = [4088, 16], strides = [1, 1]} : vector<4096x16xf32> to vector<4088x16xf32>
    %concatenate3A_29 = tpu.concatenate %broadcast_in_dim3A_27, %slice3A_28 in 0 : vector<8x16xf32>, vector<4088x16xf32> -> vector<4096x16xf32>
    %add3A_30 = arith.addf %add3A_25, %concatenate3A_29 : vector<4096x16xf32>
    %broadcast_in_dim3A_31 = arith.constant 0.000000e+00 : f32
    %broadcast_in_dim3A_32 = vector.broadcast %broadcast_in_dim3A_31 : f32 to vector<16x16xf32>
    %slice3A_33 = vector.extract_strided_slice %add3A_30 {offsets = [0, 0], sizes = [4080, 16], strides = [1, 1]} : vector<4096x16xf32> to vector<4080x16xf32>
    %concatenate3A_34 = tpu.concatenate %broadcast_in_dim3A_32, %slice3A_33 in 0 : vector<16x16xf32>, vector<4080x16xf32> -> vector<4096x16xf32>
    %add3A_35 = arith.addf %add3A_30, %concatenate3A_34 : vector<4096x16xf32>
    %broadcast_in_dim3A_36 = arith.constant 0.000000e+00 : f32
    %broadcast_in_dim3A_37 = vector.broadcast %broadcast_in_dim3A_36 : f32 to vector<32x16xf32>
    %slice3A_38 = vector.extract_strided_slice %add3A_35 {offsets = [0, 0], sizes = [4064, 16], strides = [1, 1]} : vector<4096x16xf32> to vector<4064x16xf32>
    %concatenate3A_39 = tpu.concatenate %broadcast_in_dim3A_37, %slice3A_38 in 0 : vector<32x16xf32>, vector<4064x16xf32> -> vector<4096x16xf32>
    %add3A_40 = arith.addf %add3A_35, %concatenate3A_39 : vector<4096x16xf32>
    %broadcast_in_dim3A_41 = arith.constant 0.000000e+00 : f32
    %broadcast_in_dim3A_42 = vector.broadcast %broadcast_in_dim3A_41 : f32 to vector<64x16xf32>
    %slice3A_43 = vector.extract_strided_slice %add3A_40 {offsets = [0, 0], sizes = [4032, 16], strides = [1, 1]} : vector<4096x16xf32> to vector<4032x16xf32>
    %concatenate3A_44 = tpu.concatenate %broadcast_in_dim3A_42, %slice3A_43 in 0 : vector<64x16xf32>, vector<4032x16xf32> -> vector<4096x16xf32>
    %add3A_45 = arith.addf %add3A_40, %concatenate3A_44 : vector<4096x16xf32>
    %broadcast_in_dim3A_46 = arith.constant 0.000000e+00 : f32
    %broadcast_in_dim3A_47 = vector.broadcast %broadcast_in_dim3A_46 : f32 to vector<128x16xf32>
    %slice3A_48 = vector.extract_strided_slice %add3A_45 {offsets = [0, 0], sizes = [3968, 16], strides = [1, 1]} : vector<4096x16xf32> to vector<3968x16xf32>
    %concatenate3A_49 = tpu.concatenate %broadcast_in_dim3A_47, %slice3A_48 in 0 : vector<128x16xf32>, vector<3968x16xf32> -> vector<4096x16xf32>
    %add3A_50 = arith.addf %add3A_45, %concatenate3A_49 : vector<4096x16xf32>
    %broadcast_in_dim3A_51 = arith.constant 0.000000e+00 : f32
    %broadcast_in_dim3A_52 = vector.broadcast %broadcast_in_dim3A_51 : f32 to vector<256x16xf32>
    %slice3A_53 = vector.extract_strided_slice %add3A_50 {offsets = [0, 0], sizes = [3840, 16], strides = [1, 1]} : vector<4096x16xf32> to vector<3840x16xf32>
    %concatenate3A_54 = tpu.concatenate %broadcast_in_dim3A_52, %slice3A_53 in 0 : vector<256x16xf32>, vector<3840x16xf32> -> vector<4096x16xf32>
    %add3A_55 = arith.addf %add3A_50, %concatenate3A_54 : vector<4096x16xf32>
    %broadcast_in_dim3A_56 = arith.constant 0.000000e+00 : f32
    %broadcast_in_dim3A_57 = vector.broadcast %broadcast_in_dim3A_56 : f32 to vector<512x16xf32>
    %slice3A_58 = vector.extract_strided_slice %add3A_55 {offsets = [0, 0], sizes = [3584, 16], strides = [1, 1]} : vector<4096x16xf32> to vector<3584x16xf32>
    %concatenate3A_59 = tpu.concatenate %broadcast_in_dim3A_57, %slice3A_58 in 0 : vector<512x16xf32>, vector<3584x16xf32> -> vector<4096x16xf32>
    %add3A_60 = arith.addf %add3A_55, %concatenate3A_59 : vector<4096x16xf32>
    %broadcast_in_dim3A_61 = arith.constant 0.000000e+00 : f32
    %broadcast_in_dim3A_62 = vector.broadcast %broadcast_in_dim3A_61 : f32 to vector<1024x16xf32>
    %slice3A_63 = vector.extract_strided_slice %add3A_60 {offsets = [0, 0], sizes = [3072, 16], strides = [1, 1]} : vector<4096x16xf32> to vector<3072x16xf32>
    %concatenate3A_64 = tpu.concatenate %broadcast_in_dim3A_62, %slice3A_63 in 0 : vector<1024x16xf32>, vector<3072x16xf32> -> vector<4096x16xf32>
    %add3A_65 = arith.addf %add3A_60, %concatenate3A_64 : vector<4096x16xf32>
    %broadcast_in_dim3A_66 = arith.constant 0.000000e+00 : f32
    %broadcast_in_dim3A_67 = vector.broadcast %broadcast_in_dim3A_66 : f32 to vector<2048x16xf32>
    %slice3A_68 = vector.extract_strided_slice %add3A_65 {offsets = [0, 0], sizes = [2048, 16], strides = [1, 1]} : vector<4096x16xf32> to vector<2048x16xf32>
    %concatenate3A_69 = tpu.concatenate %broadcast_in_dim3A_67, %slice3A_68 in 0 : vector<2048x16xf32>, vector<2048x16xf32> -> vector<4096x16xf32>
    %add3A_70 = arith.addf %add3A_65, %concatenate3A_69 : vector<4096x16xf32>
    %slice3A_71 = vector.extract_strided_slice %add3A_70 {offsets = [4095, 0], sizes = [1, 16], strides = [1, 1]} : vector<4096x16xf32> to vector<1x16xf32>
    %convert_element_type3A_72 = arith.fptosi %slice3A_71 : vector<1x16xf32> to vector<1x16xi32>
    %add3A_73 = arith.constant 127 : i32
    %add3A_74 = vector.broadcast %add3A_73 : i32 to vector<1x16xi32>
    %add3A_75 = arith.addi %convert_element_type3A_72, %add3A_74 : vector<1x16xi32>
    %shift_right_arithmetic3A = arith.constant 7 : i32
    %shift_right_arithmetic3A_76 = vector.broadcast %shift_right_arithmetic3A : i32 to vector<1x16xi32>
    %shift_right_arithmetic3A_77 = arith.shrsi %add3A_75, %shift_right_arithmetic3A_76 : vector<1x16xi32>
    %shift_left3A = arith.constant 7 : i32
    %shift_left3A_78 = vector.broadcast %shift_left3A : i32 to vector<1x16xi32>
    %shift_left3A_79 = arith.shli %shift_right_arithmetic3A_77, %shift_left3A_78 : vector<1x16xi32>
    %convert_element_type3A_80 = arith.sitofp %shift_left3A_79 : vector<1x16xi32> to vector<1x16xf32>
    %iota3A_81 = tpu.iota {dimensions = array<i32: 0>} : vector<16x16xi32>
    %iota3A_82 = tpu.iota {dimensions = array<i32: 1>} : vector<16x16xi32>
    %lt3A = arith.cmpi slt, %iota3A_81, %iota3A_82 : vector<16x16xi32>
    %convert_element_type3A_83 = arith.extui %lt3A : vector<16x16xi1> to vector<16x16xi32>
    %convert_element_type3A_84 = arith.sitofp %convert_element_type3A_83 : vector<16x16xi32> to vector<16x16xf32>
    %dot_general3A_85 = arith.constant dense<0.000000e+00> : vector<1x16xf32>
    %dot_general3A_86 = tpu.matmul %convert_element_type3A_80, %convert_element_type3A_84, %dot_general3A_85 {dimension_numbers = #tpu.dot_dimension_numbers<[1], [0], [0], [1], [0, 0, 1, 1], [], []>, transpose_lhs_hint = false} : vector<1x16xf32>, vector<16x16xf32>, vector<1x16xf32> -> vector<1x16xf32>
    %reduce_sum3A = vector.shape_cast %shift_left3A_79 : vector<1x16xi32> to vector<1x1x16xi32>
    %reduce_sum3A_87 = arith.constant dense<0> : vector<1xi32>
    %reduce_sum3A_88 = vector.multi_reduction <add>, %reduce_sum3A, %reduce_sum3A_87 [1, 2] : vector<1x1x16xi32> to vector<1xi32>
    %reduce_sum3A_89 = vector.shape_cast %reduce_sum3A_88 : vector<1xi32> to vector<1x1x1xi32>
    %reduce_sum3A_90 = vector.extract %reduce_sum3A_89[0, 0, 0] : i32 from vector<1x1x1xi32>
    %shift_right_arithmetic3A_91 = arith.constant 7 : i32
    %shift_right_arithmetic3A_92 = arith.shrsi %reduce_sum3A_90, %shift_right_arithmetic3A_91 : i32
    %mul3A = arith.mulf %convert_element_type3A_13, %add3A_70 : vector<4096x16xf32>
    %reduce_sum3A_93 = arith.constant dense<0.000000e+00> : vector<4096xf32>
    %reduce_sum3A_94 = vector.multi_reduction <add>, %mul3A, %reduce_sum3A_93 [1] : vector<4096x16xf32> to vector<4096xf32>
    %mul3A_95 = vector.broadcast %dot_general3A_86 : vector<1x16xf32> to vector<4096x16xf32>
    %mul3A_96 = arith.mulf %convert_element_type3A_13, %mul3A_95 : vector<4096x16xf32>
    %reduce_sum3A_97 = arith.constant dense<0.000000e+00> : vector<4096xf32>
    %reduce_sum3A_98 = vector.multi_reduction <add>, %mul3A_96, %reduce_sum3A_97 [1] : vector<4096x16xf32> to vector<4096xf32>
    %add3A_99 = arith.addf %reduce_sum3A_98, %reduce_sum3A_94 : vector<4096xf32>
    %sub3A = arith.constant 1.000000e+00 : f32
    %sub3A_100 = vector.broadcast %sub3A : f32 to vector<4096xf32>
    %sub3A_101 = arith.subf %add3A_99, %sub3A_100 : vector<4096xf32>
    %convert_element_type3A_102 = arith.fptosi %sub3A_101 : vector<4096xf32> to vector<4096xi32>
    %swap3A = arith.constant 0 : index
    %swap3A_103 = vector.load %arg2[%swap3A] : memref<4096xi32, #tpu.memory_space<vmem>>, vector<4096xi32>
    tpu.vector_store %arg2[%swap3A], %convert_element_type3A_102 {strides = array<i32>} : memref<4096xi32, #tpu.memory_space<vmem>>, vector<4096xi32>,
    %iota3A_104 = tpu.iota {dimensions = array<i32: 0>} : vector<64x16xi32>
    %sub3A_105 = arith.constant 1 : i32
    %sub3A_106 = arith.subi %shift_right_arithmetic3A_92, %sub3A_105 : i32
    %min3A = vector.broadcast %sub3A_106 : i32 to vector<64x16xi32>
    %min3A_107 = arith.minsi %iota3A_104, %min3A : vector<64x16xi32>
    %shift_left3A_108 = arith.constant 7 : i32
    %shift_left3A_109 = vector.broadcast %shift_left3A_108 : i32 to vector<64x16xi32>
    %shift_left3A_110 = arith.shli %min3A_107, %shift_left3A_109 : vector<64x16xi32>
    %convert_element_type3A_111 = arith.sitofp %shift_left3A_110 : vector<64x16xi32> to vector<64x16xf32>
    %le3A = vector.broadcast %dot_general3A_86 : vector<1x16xf32> to vector<64x16xf32>
    %le3A_112 = arith.cmpf ole, %le3A, %convert_element_type3A_111 : vector<64x16xf32>
    %convert_element_type3A_113 = arith.extui %le3A_112 : vector<64x16xi1> to vector<64x16xi32>
    %convert_element_type3A_114 = arith.sitofp %convert_element_type3A_113 : vector<64x16xi32> to vector<64x16xf32>
    %reduce_sum3A_115 = arith.constant dense<0.000000e+00> : vector<64xf32>
    %reduce_sum3A_116 = vector.multi_reduction <add>, %convert_element_type3A_114, %reduce_sum3A_115 [1] : vector<64x16xf32> to vector<64xf32>
    %broadcast_in_dim3A_117 = vector.shape_cast %reduce_sum3A_116 : vector<64xf32> to vector<64x1xf32>
    %sub3A_118 = arith.constant 1.000000e+00 : f32
    %sub3A_119 = vector.broadcast %sub3A_118 : f32 to vector<64x1xf32>
    %sub3A_120 = arith.subf %broadcast_in_dim3A_117, %sub3A_119 : vector<64x1xf32>
    %reduce_min3A_121 = arith.constant dense<2147483647> : vector<64xi32>
    %reduce_min3A_122 = vector.multi_reduction <minsi>, %iota3A_104, %reduce_min3A_121 [1] : vector<64x16xi32> to vector<64xi32>
    %lt3A_123 = arith.constant 48 : i32
    %lt3A_124 = vector.broadcast %lt3A_123 : i32 to vector<64xi32>
    %lt3A_125 = arith.cmpi slt, %reduce_min3A_122, %lt3A_124 : vector<64xi32>
    %squeeze3A = vector.shape_cast %sub3A_120 : vector<64x1xf32> to vector<64xf32>
    %convert_element_type3A_126 = arith.fptosi %squeeze3A : vector<64xf32> to vector<64xi32>
    %broadcast_in_dim3A_127 = vector.broadcast %shift_right_arithmetic3A_92 : i32 to vector<64xi32>
    %select_n3A_128 = arith.select %lt3A_125, %convert_element_type3A_126, %broadcast_in_dim3A_127 : vector<64xi1>, vector<64xi32>
    %swap3A_129 = arith.constant 0 : index
    %swap3A_130 = vector.load %arg3[%swap3A_129] : memref<64xi32, #tpu.memory_space<vmem>>, vector<64xi32>
    tpu.vector_store %arg3[%swap3A_129], %select_n3A_128 {strides = array<i32>} : memref<64xi32, #tpu.memory_space<vmem>>, vector<64xi32>,
    %iota3A_131 = tpu.iota {dimensions = array<i32: 0>} : vector<64x64xi32>
    %iota3A_132 = tpu.iota {dimensions = array<i32: 1>} : vector<64x64xi32>
    %eq3A_133 = arith.cmpi eq, %iota3A_131, %iota3A_132 : vector<64x64xi32>
    %convert_element_type3A_134 = arith.extui %eq3A_133 : vector<64x64xi1> to vector<64x64xi32>
    %convert_element_type3A_135 = arith.sitofp %convert_element_type3A_134 : vector<64x64xi32> to vector<64x64xf32>
    %le3A_136 = arith.cmpi sle, %iota3A_131, %iota3A_132 : vector<64x64xi32>
    %convert_element_type3A_137 = arith.extui %le3A_136 : vector<64x64xi1> to vector<64x64xi32>
    %convert_element_type3A_138 = arith.sitofp %convert_element_type3A_137 : vector<64x64xi32> to vector<64x64xf32>
    %dot_general3A_139 = arith.constant dense<0.000000e+00> : vector<1x64xf32>
    %dot_general3A_140 = tpu.matmul %sub3A_120, %convert_element_type3A_135, %dot_general3A_139 {dimension_numbers = #tpu.dot_dimension_numbers<[0], [0], [1], [1], [0, 1, 1, 1], [], []>, transpose_lhs_hint = false} : vector<64x1xf32>, vector<64x64xf32>, vector<1x64xf32> -> vector<1x64xf32>
    %slice3A_141 = vector.extract_strided_slice %dot_general3A_140 {offsets = [0, 0], sizes = [1, 1], strides = [1, 1]} : vector<1x64xf32> to vector<1x1xf32>
    %add3A_142 = arith.constant 1.000000e+00 : f32
    %add3A_143 = vector.broadcast %add3A_142 : f32 to vector<1x1xf32>
    %add3A_144 = arith.addf %slice3A_141, %add3A_143 : vector<1x1xf32>
    %slice3A_145 = vector.extract_strided_slice %dot_general3A_140 {offsets = [0, 0], sizes = [1, 63], strides = [1, 1]} : vector<1x64xf32> to vector<1x63xf32>
    %concatenate3A_146 = tpu.concatenate %add3A_144, %slice3A_145 in 1 : vector<1x1xf32>, vector<1x63xf32> -> vector<1x64xf32>
    %sub3A_147 = arith.subf %dot_general3A_140, %concatenate3A_146 : vector<1x64xf32>
    %abs3A = math.absf %sub3A_147 : vector<1x64xf32>
    %gt3A = arith.constant 5.000000e-01 : f32
    %gt3A_148 = vector.broadcast %gt3A : f32 to vector<1x64xf32>
    %gt3A_149 = arith.cmpf ogt, %abs3A, %gt3A_148 : vector<1x64xf32>
    %convert_element_type3A_150 = arith.extui %gt3A_149 : vector<1x64xi1> to vector<1x64xi32>
    %convert_element_type3A_151 = arith.sitofp %convert_element_type3A_150 : vector<1x64xi32> to vector<1x64xf32>
    %dot_general3A_152 = arith.constant dense<0.000000e+00> : vector<1x64xf32>
    %dot_general3A_153 = tpu.matmul %convert_element_type3A_151, %convert_element_type3A_138, %dot_general3A_152 {dimension_numbers = #tpu.dot_dimension_numbers<[1], [0], [0], [1], [0, 0, 1, 1], [], []>, transpose_lhs_hint = false} : vector<1x64xf32>, vector<64x64xf32>, vector<1x64xf32> -> vector<1x64xf32>
    %sub3A_154 = arith.constant 1.000000e+00 : f32
    %sub3A_155 = vector.broadcast %sub3A_154 : f32 to vector<1x64xf32>
    %sub3A_156 = arith.subf %dot_general3A_153, %sub3A_155 : vector<1x64xf32>
    %reduce_max3A_157 = vector.shape_cast %sub3A_156 : vector<1x64xf32> to vector<1x1x64xf32>
    %reduce_max3A_158 = arith.constant dense<0xFF800000> : vector<1xf32>
    %reduce_max3A_159 = vector.multi_reduction <maximumf>, %reduce_max3A_157, %reduce_max3A_158 [1, 2] : vector<1x1x64xf32> to vector<1xf32>
    %reduce_max3A_160 = vector.shape_cast %reduce_max3A_159 : vector<1xf32> to vector<1x1x1xf32>
    %reduce_max3A_161 = vector.extract %reduce_max3A_160[0, 0, 0] : f32 from vector<1x1x1xf32>
    %add3A_162 = arith.constant 1.000000e+00 : f32
    %add3A_163 = arith.addf %reduce_max3A_161, %add3A_162 : f32
    %dot_general3A_164 = arith.constant dense<0.000000e+00> : vector<64x1xf32>
    %dot_general3A_165 = tpu.matmul %convert_element_type3A_135, %convert_element_type3A_151, %dot_general3A_164 {dimension_numbers = #tpu.dot_dimension_numbers<[1], [1], [0], [0], [0, 0, 1, 0], [], []>, transpose_lhs_hint = false} : vector<64x64xf32>, vector<1x64xf32>, vector<64x1xf32> -> vector<64x1xf32>
    %dot_general3A_166 = arith.constant dense<0.000000e+00> : vector<64x1xf32>
    %dot_general3A_167 = tpu.matmul %convert_element_type3A_135, %sub3A_156, %dot_general3A_166 {dimension_numbers = #tpu.dot_dimension_numbers<[1], [1], [0], [0], [0, 0, 1, 0], [], []>, transpose_lhs_hint = false} : vector<64x64xf32>, vector<1x64xf32>, vector<64x1xf32> -> vector<64x1xf32>
    %convert_element_type3A_168 = arith.sitofp %iota3A_132 : vector<64x64xi32> to vector<64x64xf32>
    %sub3A_169 = vector.broadcast %dot_general3A_167 : vector<64x1xf32> to vector<64x64xf32>
    %sub3A_170 = arith.subf %sub3A_169, %convert_element_type3A_168 : vector<64x64xf32>
    %abs3A_171 = math.absf %sub3A_170 : vector<64x64xf32>
    %lt3A_172 = arith.constant 5.000000e-01 : f32
    %lt3A_173 = vector.broadcast %lt3A_172 : f32 to vector<64x64xf32>
    %lt3A_174 = arith.cmpf olt, %abs3A_171, %lt3A_173 : vector<64x64xf32>
    %convert_element_type3A_175 = arith.extui %lt3A_174 : vector<64x64xi1> to vector<64x64xi32>
    %convert_element_type3A_176 = arith.sitofp %convert_element_type3A_175 : vector<64x64xi32> to vector<64x64xf32>
    %mul3A_177 = vector.broadcast %dot_general3A_165 : vector<64x1xf32> to vector<64x64xf32>
    %mul3A_178 = arith.mulf %convert_element_type3A_176, %mul3A_177 : vector<64x64xf32>
    %dot_general3A_179 = arith.constant dense<0.000000e+00> : vector<1x64xf32>
    %dot_general3A_180 = tpu.matmul %dot_general3A_140, %mul3A_178, %dot_general3A_179 {dimension_numbers = #tpu.dot_dimension_numbers<[1], [0], [0], [1], [0, 0, 1, 1], [], []>, transpose_lhs_hint = false} : vector<1x64xf32>, vector<64x64xf32>, vector<1x64xf32> -> vector<1x64xf32>
    %add3A_181 = arith.constant 2.000000e+00 : f32
    %add3A_182 = vector.broadcast %add3A_181 : f32 to vector<64x1xf32>
    %add3A_183 = arith.addf %dot_general3A_167, %add3A_182 : vector<64x1xf32>
    %sub3A_184 = vector.broadcast %add3A_183 : vector<64x1xf32> to vector<64x64xf32>
    %sub3A_185 = arith.subf %convert_element_type3A_168, %sub3A_184 : vector<64x64xf32>
    %abs3A_186 = math.absf %sub3A_185 : vector<64x64xf32>
    %lt3A_187 = arith.constant 5.000000e-01 : f32
    %lt3A_188 = vector.broadcast %lt3A_187 : f32 to vector<64x64xf32>
    %lt3A_189 = arith.cmpf olt, %abs3A_186, %lt3A_188 : vector<64x64xf32>
    %convert_element_type3A_190 = arith.extui %lt3A_189 : vector<64x64xi1> to vector<64x64xi32>
    %convert_element_type3A_191 = arith.sitofp %convert_element_type3A_190 : vector<64x64xi32> to vector<64x64xf32>
    %dot_general3A_192 = arith.constant dense<0.000000e+00> : vector<64x1xf32>
    %dot_general3A_193 = tpu.matmul %convert_element_type3A_191, %dot_general3A_180, %dot_general3A_192 {dimension_numbers = #tpu.dot_dimension_numbers<[1], [1], [0], [0], [0, 0, 1, 0], [], []>, transpose_lhs_hint = false} : vector<64x64xf32>, vector<1x64xf32>, vector<64x1xf32> -> vector<64x1xf32>
    %sub3A_194 = arith.constant 2.500000e+00 : f32
    %sub3A_195 = arith.subf %add3A_163, %sub3A_194 : f32
    %lt3A_196 = vector.broadcast %sub3A_195 : f32 to vector<64x1xf32>
    %lt3A_197 = arith.cmpf olt, %dot_general3A_167, %lt3A_196 : vector<64x1xf32>
    %convert_element_type3A_198 = arith.extui %lt3A_197 : vector<64x1xi1> to vector<64x1xi32>
    %convert_element_type3A_199 = arith.sitofp %convert_element_type3A_198 : vector<64x1xi32> to vector<64x1xf32>
    %gt3A_200 = arith.constant 5.000000e-01 : f32
    %gt3A_201 = vector.broadcast %gt3A_200 : f32 to vector<64x1xf32>
    %gt3A_202 = arith.cmpf ogt, %dot_general3A_165, %gt3A_201 : vector<64x1xf32>
    %reduce_min3A_203 = arith.constant dense<2147483647> : vector<64xi32>
    %reduce_min3A_204 = vector.multi_reduction <minsi>, %iota3A_104, %reduce_min3A_203 [1] : vector<64x16xi32> to vector<64xi32>
    %broadcast_in_dim3A_205 = vector.shape_cast %reduce_min3A_204 : vector<64xi32> to vector<64x1xi32>
    %slice3A_206 = vector.extract_strided_slice %convert_element_type3A_168 {offsets = [0, 0], sizes = [1, 64], strides = [1, 1]} : vector<64x64xf32> to vector<1x64xf32>
    %sub3A_207 = arith.constant 1.000000e+00 : f32
    %sub3A_208 = vector.broadcast %sub3A_207 : f32 to vector<1x64xf32>
    %sub3A_209 = arith.subf %slice3A_206, %sub3A_208 : vector<1x64xf32>
    %abs3A_210 = math.absf %sub3A_209 : vector<1x64xf32>
    %lt3A_211 = arith.constant 5.000000e-01 : f32
    %lt3A_212 = vector.broadcast %lt3A_211 : f32 to vector<1x64xf32>
    %lt3A_213 = arith.cmpf olt, %abs3A_210, %lt3A_212 : vector<1x64xf32>
    %convert_element_type3A_214 = arith.extui %lt3A_213 : vector<1x64xi1> to vector<1x64xi32>
    %convert_element_type3A_215 = arith.sitofp %convert_element_type3A_214 : vector<1x64xi32> to vector<1x64xf32>
    %mul3A_216 = arith.mulf %dot_general3A_180, %convert_element_type3A_215 : vector<1x64xf32>
    %reduce_sum3A_217 = vector.shape_cast %mul3A_216 : vector<1x64xf32> to vector<1x1x64xf32>
    %reduce_sum3A_218 = arith.constant dense<0.000000e+00> : vector<1xf32>
    %reduce_sum3A_219 = vector.multi_reduction <add>, %reduce_sum3A_217, %reduce_sum3A_218 [1, 2] : vector<1x1x64xf32> to vector<1xf32>
    %reduce_sum3A_220 = vector.shape_cast %reduce_sum3A_219 : vector<1xf32> to vector<1x1x1xf32>
    %reduce_sum3A_221 = vector.extract %reduce_sum3A_220[0, 0, 0] : f32 from vector<1x1x1xf32>
    %slice3A_222 = vector.extract_strided_slice %convert_element_type3A_168 {offsets = [0, 0], sizes = [1, 64], strides = [1, 1]} : vector<64x64xf32> to vector<1x64xf32>
    %sub3A_223 = arith.constant 2.000000e+00 : f32
    %sub3A_224 = vector.broadcast %sub3A_223 : f32 to vector<1x64xf32>
    %sub3A_225 = arith.subf %slice3A_222, %sub3A_224 : vector<1x64xf32>
    %abs3A_226 = math.absf %sub3A_225 : vector<1x64xf32>
    %lt3A_227 = arith.constant 5.000000e-01 : f32
    %lt3A_228 = vector.broadcast %lt3A_227 : f32 to vector<1x64xf32>
    %lt3A_229 = arith.cmpf olt, %abs3A_226, %lt3A_228 : vector<1x64xf32>
    %convert_element_type3A_230 = arith.extui %lt3A_229 : vector<1x64xi1> to vector<1x64xi32>
    %convert_element_type3A_231 = arith.sitofp %convert_element_type3A_230 : vector<1x64xi32> to vector<1x64xf32>
    %mul3A_232 = arith.mulf %dot_general3A_180, %convert_element_type3A_231 : vector<1x64xf32>
    %reduce_sum3A_233 = vector.shape_cast %mul3A_232 : vector<1x64xf32> to vector<1x1x64xf32>
    %reduce_sum3A_234 = arith.constant dense<0.000000e+00> : vector<1xf32>
    %reduce_sum3A_235 = vector.multi_reduction <add>, %reduce_sum3A_233, %reduce_sum3A_234 [1, 2] : vector<1x1x64xf32> to vector<1xf32>
    %reduce_sum3A_236 = vector.shape_cast %reduce_sum3A_235 : vector<1xf32> to vector<1x1x1xf32>
    %reduce_sum3A_237 = vector.extract %reduce_sum3A_236[0, 0, 0] : f32 from vector<1x1x1xf32>
    %gt3A_238 = arith.constant 5.000000e-01 : f32
    %gt3A_239 = vector.broadcast %gt3A_238 : f32 to vector<64x1xf32>
    %gt3A_240 = arith.cmpf ogt, %convert_element_type3A_199, %gt3A_239 : vector<64x1xf32>
    %and3A = arith.andi %gt3A_202, %gt3A_240 : vector<64x1xi1>
    %jit3A_241 = arith.constant -1.000000e+00 : f32
    %broadcast_in_dim3A_242 = vector.broadcast %jit3A_241 : f32 to vector<64x1xf32>
    %select_n3A_243 = arith.select %and3A, %dot_general3A_193, %broadcast_in_dim3A_242 : vector<64x1xi1>, vector<64x1xf32>
    %eq3A_244 = arith.constant 0 : i32
    %eq3A_245 = vector.broadcast %eq3A_244 : i32 to vector<64x1xi32>
    %eq3A_246 = arith.cmpi eq, %broadcast_in_dim3A_205, %eq3A_245 : vector<64x1xi32>
    %gt3A_247 = arith.constant 1.500000e+00 : f32
    %gt3A_248 = arith.cmpf ogt, %add3A_163, %gt3A_247 : f32
    %jit3A_249 = arith.constant -1.000000e+00 : f32
    %select_n3A_250 = arith.select %gt3A_248, %reduce_sum3A_221, %jit3A_249 : f32
    %broadcast_in_dim3A_251 = vector.broadcast %select_n3A_250 : f32 to vector<64x1xf32>
    %select_n3A_252 = arith.select %eq3A_246, %broadcast_in_dim3A_251, %select_n3A_243 : vector<64x1xi1>, vector<64x1xf32>
    %convert_element_type3A_253 = arith.fptosi %dot_general3A_167 : vector<64x1xf32> to vector<64x1xi32>
    %jit3A_254 = arith.constant 3 : i32
    %eq3A_255 = arith.constant 0 : i32
    %eq3A_256 = arith.cmpi eq, %jit3A_254, %eq3A_255 : i32
    %jit3A_257 = arith.constant 1 : i32
    %select_n3A_258 = arith.select %eq3A_256, %jit3A_257, %jit3A_254 : i32
    %rem3A = vector.broadcast %select_n3A_258 : i32 to vector<64x1xi32>
    %rem3A_259 = arith.remsi %convert_element_type3A_253, %rem3A : vector<64x1xi32>
    %ne3A = arith.constant 0 : i32
    %ne3A_260 = vector.broadcast %ne3A : i32 to vector<64x1xi32>
    %ne3A_261 = arith.cmpi ne, %rem3A_259, %ne3A_260 : vector<64x1xi32>
    %lt3A_262 = arith.constant 0 : i32
    %lt3A_263 = vector.broadcast %lt3A_262 : i32 to vector<64x1xi32>
    %lt3A_264 = arith.cmpi slt, %rem3A_259, %lt3A_263 : vector<64x1xi32>
    %lt3A_265 = arith.constant 0 : i32
    %lt3A_266 = arith.cmpi slt, %select_n3A_258, %lt3A_265 : i32
    %ne3A_267 = vector.broadcast %lt3A_266 : i1 to vector<64x1xi1>
    %ne3A_268 = vector.broadcast %ne3A_267 : vector<64x1xi1> to vector<64x1xi1>
    %ne3A_269 = arith.xori %lt3A_264, %ne3A_268 : vector<64x1xi1>
    %and3A_270 = arith.andi %ne3A_269, %ne3A_261 : vector<64x1xi1>
    %add3A_271 = vector.broadcast %select_n3A_258 : i32 to vector<64x1xi32>
    %add3A_272 = arith.addi %rem3A_259, %add3A_271 : vector<64x1xi32>
    %select_n3A_273 = arith.select %and3A_270, %add3A_272, %rem3A_259 : vector<64x1xi1>, vector<64x1xi32>
    %eq3A_274 = arith.constant 0 : i32
    %eq3A_275 = vector.broadcast %eq3A_274 : i32 to vector<64x1xi32>
    %eq3A_276 = arith.cmpi eq, %broadcast_in_dim3A_205, %eq3A_275 : vector<64x1xi32>
    %add3A_277 = arith.constant 2 : i32
    %add3A_278 = vector.broadcast %add3A_277 : i32 to vector<64x1xi32>
    %add3A_279 = arith.addi %select_n3A_273, %add3A_278 : vector<64x1xi32>
    %jit3A_280 = arith.constant 3 : i32
    %eq3A_281 = arith.constant 0 : i32
    %eq3A_282 = arith.cmpi eq, %jit3A_280, %eq3A_281 : i32
    %jit3A_283 = arith.constant 1 : i32
    %select_n3A_284 = arith.select %eq3A_282, %jit3A_283, %jit3A_280 : i32
    %rem3A_285 = vector.broadcast %select_n3A_284 : i32 to vector<64x1xi32>
    %rem3A_286 = arith.remsi %add3A_279, %rem3A_285 : vector<64x1xi32>
    %ne3A_287 = arith.constant 0 : i32
    %ne3A_288 = vector.broadcast %ne3A_287 : i32 to vector<64x1xi32>
    %ne3A_289 = arith.cmpi ne, %rem3A_286, %ne3A_288 : vector<64x1xi32>
    %lt3A_290 = arith.constant 0 : i32
    %lt3A_291 = vector.broadcast %lt3A_290 : i32 to vector<64x1xi32>
    %lt3A_292 = arith.cmpi slt, %rem3A_286, %lt3A_291 : vector<64x1xi32>
    %lt3A_293 = arith.constant 0 : i32
    %lt3A_294 = arith.cmpi slt, %select_n3A_284, %lt3A_293 : i32
    %ne3A_295 = vector.broadcast %lt3A_294 : i1 to vector<64x1xi1>
    %ne3A_296 = vector.broadcast %ne3A_295 : vector<64x1xi1> to vector<64x1xi1>
    %ne3A_297 = arith.xori %lt3A_292, %ne3A_296 : vector<64x1xi1>
    %and3A_298 = arith.andi %ne3A_297, %ne3A_289 : vector<64x1xi1>
    %add3A_299 = vector.broadcast %select_n3A_284 : i32 to vector<64x1xi32>
    %add3A_300 = arith.addi %rem3A_286, %add3A_299 : vector<64x1xi32>
    %select_n3A_301 = arith.select %and3A_298, %add3A_300, %rem3A_286 : vector<64x1xi1>, vector<64x1xi32>
    %jit3A_302 = arith.constant 1 : i32
    %broadcast_in_dim3A_303 = vector.broadcast %jit3A_302 : i32 to vector<64x1xi32>
    %select_n3A_304 = arith.select %eq3A_276, %broadcast_in_dim3A_303, %select_n3A_301 : vector<64x1xi1>, vector<64x1xi32>
    %eq3A_305 = arith.constant 0 : i32
    %eq3A_306 = vector.broadcast %eq3A_305 : i32 to vector<64x1xi32>
    %eq3A_307 = arith.cmpi eq, %broadcast_in_dim3A_205, %eq3A_306 : vector<64x1xi32>
    %gt3A_308 = arith.constant 2.500000e+00 : f32
    %gt3A_309 = arith.cmpf ogt, %add3A_163, %gt3A_308 : f32
    %and3A_310 = vector.broadcast %gt3A_309 : i1 to vector<64x1xi1>
    %and3A_311 = arith.andi %eq3A_307, %and3A_310 : vector<64x1xi1>
    %jit3A_312 = arith.constant -1.000000e+00 : f32
    %broadcast_in_dim3A_313 = vector.broadcast %reduce_sum3A_237 : f32 to vector<64x1xf32>
    %broadcast_in_dim3A_314 = vector.broadcast %jit3A_312 : f32 to vector<64x1xf32>
    %select_n3A_315 = arith.select %and3A_311, %broadcast_in_dim3A_313, %broadcast_in_dim3A_314 : vector<64x1xi1>, vector<64x1xf32>
    %convert_element_type3A_316 = arith.sitofp %select_n3A_273 : vector<64x1xi32> to vector<64x1xf32>
    %convert_element_type3A_317 = arith.sitofp %select_n3A_304 : vector<64x1xi32> to vector<64x1xf32>
    %concatenate3A_318 = tpu.concatenate %convert_element_type3A_316, %select_n3A_252, %convert_element_type3A_317, %select_n3A_315, %dot_general3A_165 in 1 : vector<64x1xf32>, vector<64x1xf32>, vector<64x1xf32>, vector<64x1xf32>, vector<64x1xf32> -> vector<64x5xf32>
    %convert_element_type3A_319 = arith.fptosi %concatenate3A_318 : vector<64x5xf32> to vector<64x5xi32>
    %swap3A_320 = arith.constant 0 : index
    %swap3A_321 = arith.constant 0 : index
    %swap3A_322 = vector.load %arg4[%swap3A_320, %swap3A_321] : memref<64x5xi32, #tpu.memory_space<vmem>>, vector<64x5xi32>
    tpu.vector_store %arg4[%swap3A_320, %swap3A_321], %convert_element_type3A_319 {strides = array<i32>} : memref<64x5xi32, #tpu.memory_space<vmem>>, vector<64x5xi32>,
    return
  }
}

module attributes {stable_mosaic.version = 14 : i64} {
  func.func @_ffn_body(%arg0: i32, %arg1: memref<64xi32, #tpu.memory_space<smem>>, %arg2: memref<64x5xi32, #tpu.memory_space<smem>>, %arg3: memref<128x768xf32, #tpu.memory_space<vmem>>, %arg4: memref<16x1152x768xf32, #tpu.memory_space<hbm>>, %arg5: memref<16x1152x768xf32, #tpu.memory_space<hbm>>, %arg6: memref<16x768x1152xf32, #tpu.memory_space<hbm>>, %arg7: memref<128x768xf32, #tpu.memory_space<vmem>>, %arg8: memref<3x1152x768xf32, #tpu.memory_space<vmem>>, %arg9: memref<3x1152x768xf32, #tpu.memory_space<vmem>>, %arg10: memref<3x768x1152xf32, #tpu.memory_space<vmem>>, %arg11: memref<1152x768xbf16, #tpu.memory_space<vmem>>, %arg12: memref<1152x768xbf16, #tpu.memory_space<vmem>>, %arg13: memref<768x1152xbf16, #tpu.memory_space<vmem>>, %arg14: memref<3x3x!tpu.dma_semaphore, #tpu.memory_space<semaphore_mem>>) attributes {dimension_semantics = [#tpu.dimension_semantics<arbitrary>], iteration_bounds = array<i64: 48>, scalar_prefetch = 2 : i64, scratch_operands = 7 : i64, tpu.core_type = #tpu.core_type<tc>, window_params = [{transform_indices = @transform_0, window_bounds = array<i64: 128, 768>}, {}, {}, {}, {transform_indices = @transform_4, window_bounds = array<i64: 128, 768>}]} {
    %get3A = arith.constant 48 : index
    %get3A_0 = memref.load %arg1[%get3A] : memref<64xi32, #tpu.memory_space<smem>>
    %get3A_1 = arith.index_cast %arg0 : i32 to index
    %get3A_2 = arith.constant 0 : index
    %get3A_3 = memref.load %arg2[%get3A_1, %get3A_2] : memref<64x5xi32, #tpu.memory_space<smem>>
    %get3A_4 = arith.index_cast %arg0 : i32 to index
    %get3A_5 = arith.constant 1 : index
    %get3A_6 = memref.load %arg2[%get3A_4, %get3A_5] : memref<64x5xi32, #tpu.memory_space<smem>>
    %get3A_7 = arith.index_cast %arg0 : i32 to index
    %get3A_8 = arith.constant 2 : index
    %get3A_9 = memref.load %arg2[%get3A_7, %get3A_8] : memref<64x5xi32, #tpu.memory_space<smem>>
    %get3A_10 = arith.index_cast %arg0 : i32 to index
    %get3A_11 = arith.constant 3 : index
    %get3A_12 = memref.load %arg2[%get3A_10, %get3A_11] : memref<64x5xi32, #tpu.memory_space<smem>>
    %get3A_13 = arith.index_cast %arg0 : i32 to index
    %get3A_14 = arith.constant 4 : index
    %get3A_15 = memref.load %arg2[%get3A_13, %get3A_14] : memref<64x5xi32, #tpu.memory_space<smem>>
    %eq3A = arith.constant 0 : i32
    %eq3A_16 = arith.cmpi eq, %arg0, %eq3A : i32
    %convert_element_type3A = arith.extui %eq3A_16 : i1 to i32
    %cond3A = arith.constant 0 : i32
    %cond3A_17 = arith.cmpi ne, %convert_element_type3A, %cond3A : i32
    scf.if %cond3A_17 {
      %get3A_35 = arith.constant 0 : index
      %get3A_36 = memref.load %arg1[%get3A_35] : memref<64xi32, #tpu.memory_space<smem>>
      %dma_start3A = arith.constant 0 : i32
      %dma_start3A_37 = arith.constant 0 : i32
      %dma_start3A_38 = arith.constant 0 : i32
      %dma_start3A_39 = tpu.memref_slice %arg14[%dma_start3A_37, %dma_start3A_38] : memref<3x3x!tpu.dma_semaphore, #tpu.memory_space<semaphore_mem>> -> memref<1x1x!tpu.dma_semaphore, #tpu.memory_space<semaphore_mem>>
      %dma_start3A_40 = tpu.memref_squeeze %dma_start3A_39 : memref<1x1x!tpu.dma_semaphore, #tpu.memory_space<semaphore_mem>> -> memref<!tpu.dma_semaphore, #tpu.memory_space<semaphore_mem>>
      %dma_start3A_41 = arith.constant 0 : i32
      %dma_start3A_42 = arith.constant 0 : i32
      %dma_start3A_43 = tpu.memref_slice %arg8[%dma_start3A, %dma_start3A_41, %dma_start3A_42] : memref<3x1152x768xf32, #tpu.memory_space<vmem>> -> memref<1x1152x768xf32, #tpu.memory_space<vmem>>
      %dma_start3A_44 = tpu.memref_squeeze %dma_start3A_43 : memref<1x1152x768xf32, #tpu.memory_space<vmem>> -> memref<1152x768xf32, #tpu.memory_space<vmem>>
      %dma_start3A_45 = arith.constant 0 : i32
      %dma_start3A_46 = arith.constant 0 : i32
      %dma_start3A_47 = tpu.memref_slice %arg4[%get3A_36, %dma_start3A_45, %dma_start3A_46] : memref<16x1152x768xf32, #tpu.memory_space<hbm>> -> memref<1x1152x768xf32, #tpu.memory_space<hbm>>
      %dma_start3A_48 = tpu.memref_squeeze %dma_start3A_47 : memref<1x1152x768xf32, #tpu.memory_space<hbm>> -> memref<1152x768xf32, #tpu.memory_space<hbm>>
      tpu.enqueue_dma source(%dma_start3A_48 : memref<1152x768xf32, #tpu.memory_space<hbm>>) target(%dma_start3A_44 : memref<1152x768xf32, #tpu.memory_space<vmem>>) target_semaphore(%dma_start3A_40 : memref<!tpu.dma_semaphore, #tpu.memory_space<semaphore_mem>>)
      %dma_start3A_49 = arith.constant 0 : i32
      %dma_start3A_50 = arith.constant 1 : i32
      %dma_start3A_51 = arith.constant 0 : i32
      %dma_start3A_52 = tpu.memref_slice %arg14[%dma_start3A_50, %dma_start3A_51] : memref<3x3x!tpu.dma_semaphore, #tpu.memory_space<semaphore_mem>> -> memref<1x1x!tpu.dma_semaphore, #tpu.memory_space<semaphore_mem>>
      %dma_start3A_53 = tpu.memref_squeeze %dma_start3A_52 : memref<1x1x!tpu.dma_semaphore, #tpu.memory_space<semaphore_mem>> -> memref<!tpu.dma_semaphore, #tpu.memory_space<semaphore_mem>>
      %dma_start3A_54 = arith.constant 0 : i32
      %dma_start3A_55 = arith.constant 0 : i32
      %dma_start3A_56 = tpu.memref_slice %arg9[%dma_start3A_49, %dma_start3A_54, %dma_start3A_55] : memref<3x1152x768xf32, #tpu.memory_space<vmem>> -> memref<1x1152x768xf32, #tpu.memory_space<vmem>>
      %dma_start3A_57 = tpu.memref_squeeze %dma_start3A_56 : memref<1x1152x768xf32, #tpu.memory_space<vmem>> -> memref<1152x768xf32, #tpu.memory_space<vmem>>
      %dma_start3A_58 = arith.constant 0 : i32
      %dma_start3A_59 = arith.constant 0 : i32
      %dma_start3A_60 = tpu.memref_slice %arg5[%get3A_36, %dma_start3A_58, %dma_start3A_59] : memref<16x1152x768xf32, #tpu.memory_space<hbm>> -> memref<1x1152x768xf32, #tpu.memory_space<hbm>>
      %dma_start3A_61 = tpu.memref_squeeze %dma_start3A_60 : memref<1x1152x768xf32, #tpu.memory_space<hbm>> -> memref<1152x768xf32, #tpu.memory_space<hbm>>
      tpu.enqueue_dma source(%dma_start3A_61 : memref<1152x768xf32, #tpu.memory_space<hbm>>) target(%dma_start3A_57 : memref<1152x768xf32, #tpu.memory_space<vmem>>) target_semaphore(%dma_start3A_53 : memref<!tpu.dma_semaphore, #tpu.memory_space<semaphore_mem>>)
      %dma_start3A_62 = arith.constant 0 : i32
      %dma_start3A_63 = arith.constant 2 : i32
      %dma_start3A_64 = arith.constant 0 : i32
      %dma_start3A_65 = tpu.memref_slice %arg14[%dma_start3A_63, %dma_start3A_64] : memref<3x3x!tpu.dma_semaphore, #tpu.memory_space<semaphore_mem>> -> memref<1x1x!tpu.dma_semaphore, #tpu.memory_space<semaphore_mem>>
      %dma_start3A_66 = tpu.memref_squeeze %dma_start3A_65 : memref<1x1x!tpu.dma_semaphore, #tpu.memory_space<semaphore_mem>> -> memref<!tpu.dma_semaphore, #tpu.memory_space<semaphore_mem>>
      %dma_start3A_67 = arith.constant 0 : i32
      %dma_start3A_68 = arith.constant 0 : i32
      %dma_start3A_69 = tpu.memref_slice %arg10[%dma_start3A_62, %dma_start3A_67, %dma_start3A_68] : memref<3x768x1152xf32, #tpu.memory_space<vmem>> -> memref<1x768x1152xf32, #tpu.memory_space<vmem>>
      %dma_start3A_70 = tpu.memref_squeeze %dma_start3A_69 : memref<1x768x1152xf32, #tpu.memory_space<vmem>> -> memref<768x1152xf32, #tpu.memory_space<vmem>>
      %dma_start3A_71 = arith.constant 0 : i32
      %dma_start3A_72 = arith.constant 0 : i32
      %dma_start3A_73 = tpu.memref_slice %arg6[%get3A_36, %dma_start3A_71, %dma_start3A_72] : memref<16x768x1152xf32, #tpu.memory_space<hbm>> -> memref<1x768x1152xf32, #tpu.memory_space<hbm>>
      %dma_start3A_74 = tpu.memref_squeeze %dma_start3A_73 : memref<1x768x1152xf32, #tpu.memory_space<hbm>> -> memref<768x1152xf32, #tpu.memory_space<hbm>>
      tpu.enqueue_dma source(%dma_start3A_74 : memref<768x1152xf32, #tpu.memory_space<hbm>>) target(%dma_start3A_70 : memref<768x1152xf32, #tpu.memory_space<vmem>>) target_semaphore(%dma_start3A_66 : memref<!tpu.dma_semaphore, #tpu.memory_space<semaphore_mem>>)
    } else {
    }
    %ge3A = arith.constant 0 : i32
    %ge3A_18 = arith.cmpi sge, %get3A_6, %ge3A : i32
    %convert_element_type3A_19 = arith.extui %ge3A_18 : i1 to i32
    %cond3A_20 = arith.constant 0 : i32
    %cond3A_21 = arith.cmpi ne, %convert_element_type3A_19, %cond3A_20 : i32
    scf.if %cond3A_21 {
      %dma_start3A = arith.constant 0 : i32
      %dma_start3A_35 = tpu.memref_slice %arg14[%dma_start3A, %get3A_9] : memref<3x3x!tpu.dma_semaphore, #tpu.memory_space<semaphore_mem>> -> memref<1x1x!tpu.dma_semaphore, #tpu.memory_space<semaphore_mem>>
      %dma_start3A_36 = tpu.memref_squeeze %dma_start3A_35 : memref<1x1x!tpu.dma_semaphore, #tpu.memory_space<semaphore_mem>> -> memref<!tpu.dma_semaphore, #tpu.memory_space<semaphore_mem>>
      %dma_start3A_37 = arith.constant 0 : i32
      %dma_start3A_38 = arith.constant 0 : i32
      %dma_start3A_39 = tpu.memref_slice %arg8[%get3A_9, %dma_start3A_37, %dma_start3A_38] : memref<3x1152x768xf32, #tpu.memory_space<vmem>> -> memref<1x1152x768xf32, #tpu.memory_space<vmem>>
      %dma_start3A_40 = tpu.memref_squeeze %dma_start3A_39 : memref<1x1152x768xf32, #tpu.memory_space<vmem>> -> memref<1152x768xf32, #tpu.memory_space<vmem>>
      %dma_start3A_41 = arith.constant 0 : i32
      %dma_start3A_42 = arith.constant 0 : i32
      %dma_start3A_43 = tpu.memref_slice %arg4[%get3A_6, %dma_start3A_41, %dma_start3A_42] : memref<16x1152x768xf32, #tpu.memory_space<hbm>> -> memref<1x1152x768xf32, #tpu.memory_space<hbm>>
      %dma_start3A_44 = tpu.memref_squeeze %dma_start3A_43 : memref<1x1152x768xf32, #tpu.memory_space<hbm>> -> memref<1152x768xf32, #tpu.memory_space<hbm>>
      tpu.enqueue_dma source(%dma_start3A_44 : memref<1152x768xf32, #tpu.memory_space<hbm>>) target(%dma_start3A_40 : memref<1152x768xf32, #tpu.memory_space<vmem>>) target_semaphore(%dma_start3A_36 : memref<!tpu.dma_semaphore, #tpu.memory_space<semaphore_mem>>)
      %dma_start3A_45 = arith.constant 1 : i32
      %dma_start3A_46 = tpu.memref_slice %arg14[%dma_start3A_45, %get3A_9] : memref<3x3x!tpu.dma_semaphore, #tpu.memory_space<semaphore_mem>> -> memref<1x1x!tpu.dma_semaphore, #tpu.memory_space<semaphore_mem>>
      %dma_start3A_47 = tpu.memref_squeeze %dma_start3A_46 : memref<1x1x!tpu.dma_semaphore, #tpu.memory_space<semaphore_mem>> -> memref<!tpu.dma_semaphore, #tpu.memory_space<semaphore_mem>>
      %dma_start3A_48 = arith.constant 0 : i32
      %dma_start3A_49 = arith.constant 0 : i32
      %dma_start3A_50 = tpu.memref_slice %arg9[%get3A_9, %dma_start3A_48, %dma_start3A_49] : memref<3x1152x768xf32, #tpu.memory_space<vmem>> -> memref<1x1152x768xf32, #tpu.memory_space<vmem>>
      %dma_start3A_51 = tpu.memref_squeeze %dma_start3A_50 : memref<1x1152x768xf32, #tpu.memory_space<vmem>> -> memref<1152x768xf32, #tpu.memory_space<vmem>>
      %dma_start3A_52 = arith.constant 0 : i32
      %dma_start3A_53 = arith.constant 0 : i32
      %dma_start3A_54 = tpu.memref_slice %arg5[%get3A_6, %dma_start3A_52, %dma_start3A_53] : memref<16x1152x768xf32, #tpu.memory_space<hbm>> -> memref<1x1152x768xf32, #tpu.memory_space<hbm>>
      %dma_start3A_55 = tpu.memref_squeeze %dma_start3A_54 : memref<1x1152x768xf32, #tpu.memory_space<hbm>> -> memref<1152x768xf32, #tpu.memory_space<hbm>>
      tpu.enqueue_dma source(%dma_start3A_55 : memref<1152x768xf32, #tpu.memory_space<hbm>>) target(%dma_start3A_51 : memref<1152x768xf32, #tpu.memory_space<vmem>>) target_semaphore(%dma_start3A_47 : memref<!tpu.dma_semaphore, #tpu.memory_space<semaphore_mem>>)
      %dma_start3A_56 = arith.constant 2 : i32
      %dma_start3A_57 = tpu.memref_slice %arg14[%dma_start3A_56, %get3A_9] : memref<3x3x!tpu.dma_semaphore, #tpu.memory_space<semaphore_mem>> -> memref<1x1x!tpu.dma_semaphore, #tpu.memory_space<semaphore_mem>>
      %dma_start3A_58 = tpu.memref_squeeze %dma_start3A_57 : memref<1x1x!tpu.dma_semaphore, #tpu.memory_space<semaphore_mem>> -> memref<!tpu.dma_semaphore, #tpu.memory_space<semaphore_mem>>
      %dma_start3A_59 = arith.constant 0 : i32
      %dma_start3A_60 = arith.constant 0 : i32
      %dma_start3A_61 = tpu.memref_slice %arg10[%get3A_9, %dma_start3A_59, %dma_start3A_60] : memref<3x768x1152xf32, #tpu.memory_space<vmem>> -> memref<1x768x1152xf32, #tpu.memory_space<vmem>>
      %dma_start3A_62 = tpu.memref_squeeze %dma_start3A_61 : memref<1x768x1152xf32, #tpu.memory_space<vmem>> -> memref<768x1152xf32, #tpu.memory_space<vmem>>
      %dma_start3A_63 = arith.constant 0 : i32
      %dma_start3A_64 = arith.constant 0 : i32
      %dma_start3A_65 = tpu.memref_slice %arg6[%get3A_6, %dma_start3A_63, %dma_start3A_64] : memref<16x768x1152xf32, #tpu.memory_space<hbm>> -> memref<1x768x1152xf32, #tpu.memory_space<hbm>>
      %dma_start3A_66 = tpu.memref_squeeze %dma_start3A_65 : memref<1x768x1152xf32, #tpu.memory_space<hbm>> -> memref<768x1152xf32, #tpu.memory_space<hbm>>
      tpu.enqueue_dma source(%dma_start3A_66 : memref<768x1152xf32, #tpu.memory_space<hbm>>) target(%dma_start3A_62 : memref<768x1152xf32, #tpu.memory_space<vmem>>) target_semaphore(%dma_start3A_58 : memref<!tpu.dma_semaphore, #tpu.memory_space<semaphore_mem>>)
    } else {
    }
    %ge3A_22 = arith.constant 0 : i32
    %ge3A_23 = arith.cmpi sge, %get3A_12, %ge3A_22 : i32
    %convert_element_type3A_24 = arith.extui %ge3A_23 : i1 to i32
    %cond3A_25 = arith.constant 0 : i32
    %cond3A_26 = arith.cmpi ne, %convert_element_type3A_24, %cond3A_25 : i32
    scf.if %cond3A_26 {
      %dma_start3A = arith.constant 2 : i32
      %dma_start3A_35 = arith.constant 0 : i32
      %dma_start3A_36 = arith.constant 2 : i32
      %dma_start3A_37 = tpu.memref_slice %arg14[%dma_start3A_35, %dma_start3A_36] : memref<3x3x!tpu.dma_semaphore, #tpu.memory_space<semaphore_mem>> -> memref<1x1x!tpu.dma_semaphore, #tpu.memory_space<semaphore_mem>>
      %dma_start3A_38 = tpu.memref_squeeze %dma_start3A_37 : memref<1x1x!tpu.dma_semaphore, #tpu.memory_space<semaphore_mem>> -> memref<!tpu.dma_semaphore, #tpu.memory_space<semaphore_mem>>
      %dma_start3A_39 = arith.constant 0 : i32
      %dma_start3A_40 = arith.constant 0 : i32
      %dma_start3A_41 = tpu.memref_slice %arg8[%dma_start3A, %dma_start3A_39, %dma_start3A_40] : memref<3x1152x768xf32, #tpu.memory_space<vmem>> -> memref<1x1152x768xf32, #tpu.memory_space<vmem>>
      %dma_start3A_42 = tpu.memref_squeeze %dma_start3A_41 : memref<1x1152x768xf32, #tpu.memory_space<vmem>> -> memref<1152x768xf32, #tpu.memory_space<vmem>>
      %dma_start3A_43 = arith.constant 0 : i32
      %dma_start3A_44 = arith.constant 0 : i32
      %dma_start3A_45 = tpu.memref_slice %arg4[%get3A_12, %dma_start3A_43, %dma_start3A_44] : memref<16x1152x768xf32, #tpu.memory_space<hbm>> -> memref<1x1152x768xf32, #tpu.memory_space<hbm>>
      %dma_start3A_46 = tpu.memref_squeeze %dma_start3A_45 : memref<1x1152x768xf32, #tpu.memory_space<hbm>> -> memref<1152x768xf32, #tpu.memory_space<hbm>>
      tpu.enqueue_dma source(%dma_start3A_46 : memref<1152x768xf32, #tpu.memory_space<hbm>>) target(%dma_start3A_42 : memref<1152x768xf32, #tpu.memory_space<vmem>>) target_semaphore(%dma_start3A_38 : memref<!tpu.dma_semaphore, #tpu.memory_space<semaphore_mem>>)
      %dma_start3A_47 = arith.constant 2 : i32
      %dma_start3A_48 = arith.constant 1 : i32
      %dma_start3A_49 = arith.constant 2 : i32
      %dma_start3A_50 = tpu.memref_slice %arg14[%dma_start3A_48, %dma_start3A_49] : memref<3x3x!tpu.dma_semaphore, #tpu.memory_space<semaphore_mem>> -> memref<1x1x!tpu.dma_semaphore, #tpu.memory_space<semaphore_mem>>
      %dma_start3A_51 = tpu.memref_squeeze %dma_start3A_50 : memref<1x1x!tpu.dma_semaphore, #tpu.memory_space<semaphore_mem>> -> memref<!tpu.dma_semaphore, #tpu.memory_space<semaphore_mem>>
      %dma_start3A_52 = arith.constant 0 : i32
      %dma_start3A_53 = arith.constant 0 : i32
      %dma_start3A_54 = tpu.memref_slice %arg9[%dma_start3A_47, %dma_start3A_52, %dma_start3A_53] : memref<3x1152x768xf32, #tpu.memory_space<vmem>> -> memref<1x1152x768xf32, #tpu.memory_space<vmem>>
      %dma_start3A_55 = tpu.memref_squeeze %dma_start3A_54 : memref<1x1152x768xf32, #tpu.memory_space<vmem>> -> memref<1152x768xf32, #tpu.memory_space<vmem>>
      %dma_start3A_56 = arith.constant 0 : i32
      %dma_start3A_57 = arith.constant 0 : i32
      %dma_start3A_58 = tpu.memref_slice %arg5[%get3A_12, %dma_start3A_56, %dma_start3A_57] : memref<16x1152x768xf32, #tpu.memory_space<hbm>> -> memref<1x1152x768xf32, #tpu.memory_space<hbm>>
      %dma_start3A_59 = tpu.memref_squeeze %dma_start3A_58 : memref<1x1152x768xf32, #tpu.memory_space<hbm>> -> memref<1152x768xf32, #tpu.memory_space<hbm>>
      tpu.enqueue_dma source(%dma_start3A_59 : memref<1152x768xf32, #tpu.memory_space<hbm>>) target(%dma_start3A_55 : memref<1152x768xf32, #tpu.memory_space<vmem>>) target_semaphore(%dma_start3A_51 : memref<!tpu.dma_semaphore, #tpu.memory_space<semaphore_mem>>)
      %dma_start3A_60 = arith.constant 2 : i32
      %dma_start3A_61 = arith.constant 2 : i32
      %dma_start3A_62 = arith.constant 2 : i32
      %dma_start3A_63 = tpu.memref_slice %arg14[%dma_start3A_61, %dma_start3A_62] : memref<3x3x!tpu.dma_semaphore, #tpu.memory_space<semaphore_mem>> -> memref<1x1x!tpu.dma_semaphore, #tpu.memory_space<semaphore_mem>>
      %dma_start3A_64 = tpu.memref_squeeze %dma_start3A_63 : memref<1x1x!tpu.dma_semaphore, #tpu.memory_space<semaphore_mem>> -> memref<!tpu.dma_semaphore, #tpu.memory_space<semaphore_mem>>
      %dma_start3A_65 = arith.constant 0 : i32
      %dma_start3A_66 = arith.constant 0 : i32
      %dma_start3A_67 = tpu.memref_slice %arg10[%dma_start3A_60, %dma_start3A_65, %dma_start3A_66] : memref<3x768x1152xf32, #tpu.memory_space<vmem>> -> memref<1x768x1152xf32, #tpu.memory_space<vmem>>
      %dma_start3A_68 = tpu.memref_squeeze %dma_start3A_67 : memref<1x768x1152xf32, #tpu.memory_space<vmem>> -> memref<768x1152xf32, #tpu.memory_space<vmem>>
      %dma_start3A_69 = arith.constant 0 : i32
      %dma_start3A_70 = arith.constant 0 : i32
      %dma_start3A_71 = tpu.memref_slice %arg6[%get3A_12, %dma_start3A_69, %dma_start3A_70] : memref<16x768x1152xf32, #tpu.memory_space<hbm>> -> memref<1x768x1152xf32, #tpu.memory_space<hbm>>
      %dma_start3A_72 = tpu.memref_squeeze %dma_start3A_71 : memref<1x768x1152xf32, #tpu.memory_space<hbm>> -> memref<768x1152xf32, #tpu.memory_space<hbm>>
      tpu.enqueue_dma source(%dma_start3A_72 : memref<768x1152xf32, #tpu.memory_space<hbm>>) target(%dma_start3A_68 : memref<768x1152xf32, #tpu.memory_space<vmem>>) target_semaphore(%dma_start3A_64 : memref<!tpu.dma_semaphore, #tpu.memory_space<semaphore_mem>>)
    } else {
    }
    %eq3A_27 = arith.constant 1 : i32
    %eq3A_28 = arith.cmpi eq, %get3A_15, %eq3A_27 : i32
    %convert_element_type3A_29 = arith.extui %eq3A_28 : i1 to i32
    %cond3A_30 = arith.constant 0 : i32
    %cond3A_31 = arith.cmpi ne, %convert_element_type3A_29, %cond3A_30 : i32
    scf.if %cond3A_31 {
      %dma_wait3A = arith.constant 0 : i32
      %dma_wait3A_35 = arith.constant 0 : i32
      %dma_wait3A_36 = tpu.memref_slice %arg14[%dma_wait3A_35, %get3A_3] : memref<3x3x!tpu.dma_semaphore, #tpu.memory_space<semaphore_mem>> -> memref<1x1x!tpu.dma_semaphore, #tpu.memory_space<semaphore_mem>>
      %dma_wait3A_37 = tpu.memref_squeeze %dma_wait3A_36 : memref<1x1x!tpu.dma_semaphore, #tpu.memory_space<semaphore_mem>> -> memref<!tpu.dma_semaphore, #tpu.memory_space<semaphore_mem>>
      %dma_wait3A_38 = arith.constant 0 : i32
      %dma_wait3A_39 = arith.constant 0 : i32
      %dma_wait3A_40 = tpu.memref_slice %arg8[%get3A_3, %dma_wait3A_38, %dma_wait3A_39] : memref<3x1152x768xf32, #tpu.memory_space<vmem>> -> memref<1x1152x768xf32, #tpu.memory_space<vmem>>
      %dma_wait3A_41 = tpu.memref_squeeze %dma_wait3A_40 : memref<1x1152x768xf32, #tpu.memory_space<vmem>> -> memref<1152x768xf32, #tpu.memory_space<vmem>>
      %dma_wait3A_42 = arith.constant 0 : i32
      %dma_wait3A_43 = arith.constant 0 : i32
      %dma_wait3A_44 = tpu.memref_slice %arg4[%dma_wait3A, %dma_wait3A_42, %dma_wait3A_43] : memref<16x1152x768xf32, #tpu.memory_space<hbm>> -> memref<1x1152x768xf32, #tpu.memory_space<hbm>>
      %dma_wait3A_45 = tpu.memref_squeeze %dma_wait3A_44 : memref<1x1152x768xf32, #tpu.memory_space<hbm>> -> memref<1152x768xf32, #tpu.memory_space<hbm>>
      tpu.wait_dma2 semaphore(%dma_wait3A_37 : memref<!tpu.dma_semaphore, #tpu.memory_space<semaphore_mem>>) src(%dma_wait3A_45 : memref<1152x768xf32, #tpu.memory_space<hbm>>) dst(%dma_wait3A_41 : memref<1152x768xf32, #tpu.memory_space<vmem>>)
      %dma_wait3A_46 = arith.constant 0 : i32
      %dma_wait3A_47 = arith.constant 1 : i32
      %dma_wait3A_48 = tpu.memref_slice %arg14[%dma_wait3A_47, %get3A_3] : memref<3x3x!tpu.dma_semaphore, #tpu.memory_space<semaphore_mem>> -> memref<1x1x!tpu.dma_semaphore, #tpu.memory_space<semaphore_mem>>
      %dma_wait3A_49 = tpu.memref_squeeze %dma_wait3A_48 : memref<1x1x!tpu.dma_semaphore, #tpu.memory_space<semaphore_mem>> -> memref<!tpu.dma_semaphore, #tpu.memory_space<semaphore_mem>>
      %dma_wait3A_50 = arith.constant 0 : i32
      %dma_wait3A_51 = arith.constant 0 : i32
      %dma_wait3A_52 = tpu.memref_slice %arg9[%get3A_3, %dma_wait3A_50, %dma_wait3A_51] : memref<3x1152x768xf32, #tpu.memory_space<vmem>> -> memref<1x1152x768xf32, #tpu.memory_space<vmem>>
      %dma_wait3A_53 = tpu.memref_squeeze %dma_wait3A_52 : memref<1x1152x768xf32, #tpu.memory_space<vmem>> -> memref<1152x768xf32, #tpu.memory_space<vmem>>
      %dma_wait3A_54 = arith.constant 0 : i32
      %dma_wait3A_55 = arith.constant 0 : i32
      %dma_wait3A_56 = tpu.memref_slice %arg5[%dma_wait3A_46, %dma_wait3A_54, %dma_wait3A_55] : memref<16x1152x768xf32, #tpu.memory_space<hbm>> -> memref<1x1152x768xf32, #tpu.memory_space<hbm>>
      %dma_wait3A_57 = tpu.memref_squeeze %dma_wait3A_56 : memref<1x1152x768xf32, #tpu.memory_space<hbm>> -> memref<1152x768xf32, #tpu.memory_space<hbm>>
      tpu.wait_dma2 semaphore(%dma_wait3A_49 : memref<!tpu.dma_semaphore, #tpu.memory_space<semaphore_mem>>) src(%dma_wait3A_57 : memref<1152x768xf32, #tpu.memory_space<hbm>>) dst(%dma_wait3A_53 : memref<1152x768xf32, #tpu.memory_space<vmem>>)
      %dma_wait3A_58 = arith.constant 0 : i32
      %dma_wait3A_59 = arith.constant 2 : i32
      %dma_wait3A_60 = tpu.memref_slice %arg14[%dma_wait3A_59, %get3A_3] : memref<3x3x!tpu.dma_semaphore, #tpu.memory_space<semaphore_mem>> -> memref<1x1x!tpu.dma_semaphore, #tpu.memory_space<semaphore_mem>>
      %dma_wait3A_61 = tpu.memref_squeeze %dma_wait3A_60 : memref<1x1x!tpu.dma_semaphore, #tpu.memory_space<semaphore_mem>> -> memref<!tpu.dma_semaphore, #tpu.memory_space<semaphore_mem>>
      %dma_wait3A_62 = arith.constant 0 : i32
      %dma_wait3A_63 = arith.constant 0 : i32
      %dma_wait3A_64 = tpu.memref_slice %arg10[%get3A_3, %dma_wait3A_62, %dma_wait3A_63] : memref<3x768x1152xf32, #tpu.memory_space<vmem>> -> memref<1x768x1152xf32, #tpu.memory_space<vmem>>
      %dma_wait3A_65 = tpu.memref_squeeze %dma_wait3A_64 : memref<1x768x1152xf32, #tpu.memory_space<vmem>> -> memref<768x1152xf32, #tpu.memory_space<vmem>>
      %dma_wait3A_66 = arith.constant 0 : i32
      %dma_wait3A_67 = arith.constant 0 : i32
      %dma_wait3A_68 = tpu.memref_slice %arg6[%dma_wait3A_58, %dma_wait3A_66, %dma_wait3A_67] : memref<16x768x1152xf32, #tpu.memory_space<hbm>> -> memref<1x768x1152xf32, #tpu.memory_space<hbm>>
      %dma_wait3A_69 = tpu.memref_squeeze %dma_wait3A_68 : memref<1x768x1152xf32, #tpu.memory_space<hbm>> -> memref<768x1152xf32, #tpu.memory_space<hbm>>
      tpu.wait_dma2 semaphore(%dma_wait3A_61 : memref<!tpu.dma_semaphore, #tpu.memory_space<semaphore_mem>>) src(%dma_wait3A_69 : memref<768x1152xf32, #tpu.memory_space<hbm>>) dst(%dma_wait3A_65 : memref<768x1152xf32, #tpu.memory_space<vmem>>)
      %get3A_70 = arith.index_cast %get3A_3 : i32 to index
      %get3A_71 = arith.constant 0 : index
      %get3A_72 = arith.constant 0 : index
      %get3A_73 = vector.load %arg8[%get3A_70, %get3A_71, %get3A_72] : memref<3x1152x768xf32, #tpu.memory_space<vmem>>, vector<1x1152x768xf32>
      %get3A_74 = vector.shape_cast %get3A_73 : vector<1x1152x768xf32> to vector<1152x768xf32>
      %convert_element_type3A_75 = arith.truncf %get3A_74 : vector<1152x768xf32> to vector<1152x768xbf16>
      %swap3A = arith.constant 0 : index
      %swap3A_76 = arith.constant 0 : index
      %swap3A_77 = vector.load %arg11[%swap3A, %swap3A_76] : memref<1152x768xbf16, #tpu.memory_space<vmem>>, vector<1152x768xbf16>
      tpu.vector_store %arg11[%swap3A, %swap3A_76], %convert_element_type3A_75 {strides = array<i32>} : memref<1152x768xbf16, #tpu.memory_space<vmem>>, vector<1152x768xbf16>,
      %get3A_78 = arith.index_cast %get3A_3 : i32 to index
      %get3A_79 = arith.constant 0 : index
      %get3A_80 = arith.constant 0 : index
      %get3A_81 = vector.load %arg9[%get3A_78, %get3A_79, %get3A_80] : memref<3x1152x768xf32, #tpu.memory_space<vmem>>, vector<1x1152x768xf32>
      %get3A_82 = vector.shape_cast %get3A_81 : vector<1x1152x768xf32> to vector<1152x768xf32>
      %convert_element_type3A_83 = arith.truncf %get3A_82 : vector<1152x768xf32> to vector<1152x768xbf16>
      %swap3A_84 = arith.constant 0 : index
      %swap3A_85 = arith.constant 0 : index
      %swap3A_86 = vector.load %arg12[%swap3A_84, %swap3A_85] : memref<1152x768xbf16, #tpu.memory_space<vmem>>, vector<1152x768xbf16>
      tpu.vector_store %arg12[%swap3A_84, %swap3A_85], %convert_element_type3A_83 {strides = array<i32>} : memref<1152x768xbf16, #tpu.memory_space<vmem>>, vector<1152x768xbf16>,
      %get3A_87 = arith.index_cast %get3A_3 : i32 to index
      %get3A_88 = arith.constant 0 : index
      %get3A_89 = arith.constant 0 : index
      %get3A_90 = vector.load %arg10[%get3A_87, %get3A_88, %get3A_89] : memref<3x768x1152xf32, #tpu.memory_space<vmem>>, vector<1x768x1152xf32>
      %get3A_91 = vector.shape_cast %get3A_90 : vector<1x768x1152xf32> to vector<768x1152xf32>
      %convert_element_type3A_92 = arith.truncf %get3A_91 : vector<768x1152xf32> to vector<768x1152xbf16>
      %swap3A_93 = arith.constant 0 : index
      %swap3A_94 = arith.constant 0 : index
      %swap3A_95 = vector.load %arg13[%swap3A_93, %swap3A_94] : memref<768x1152xbf16, #tpu.memory_space<vmem>>, vector<768x1152xbf16>
      tpu.vector_store %arg13[%swap3A_93, %swap3A_94], %convert_element_type3A_92 {strides = array<i32>} : memref<768x1152xbf16, #tpu.memory_space<vmem>>, vector<768x1152xbf16>,
    } else {
    }
    %lt3A = arith.cmpi slt, %arg0, %get3A_0 : i32
    %convert_element_type3A_32 = arith.extui %lt3A : i1 to i32
    %cond3A_33 = arith.constant 0 : i32
    %cond3A_34 = arith.cmpi ne, %convert_element_type3A_32, %cond3A_33 : i32
    scf.if %cond3A_34 {
      %get3A_35 = arith.constant 0 : index
      %get3A_36 = arith.constant 0 : index
      %get3A_37 = vector.load %arg3[%get3A_35, %get3A_36] : memref<128x768xf32, #tpu.memory_space<vmem>>, vector<128x768xf32>
      %convert_element_type3A_38 = arith.truncf %get3A_37 : vector<128x768xf32> to vector<128x768xbf16>
      %get3A_39 = arith.constant 0 : index
      %get3A_40 = arith.constant 0 : index
      %get3A_41 = vector.load %arg11[%get3A_39, %get3A_40] : memref<1152x768xbf16, #tpu.memory_space<vmem>>, vector<1152x768xbf16>
      %dot_general3A = arith.constant dense<0.000000e+00> : vector<128x1152xf32>
      %dot_general3A_42 = tpu.matmul %convert_element_type3A_38, %get3A_41, %dot_general3A {dimension_numbers = #tpu.dot_dimension_numbers<[1], [1], [0], [0], [0, 0, 1, 0], [], []>, transpose_lhs_hint = false} : vector<128x768xbf16>, vector<1152x768xbf16>, vector<128x1152xf32> -> vector<128x1152xf32>
      %get3A_43 = arith.constant 0 : index
      %get3A_44 = arith.constant 0 : index
      %get3A_45 = vector.load %arg12[%get3A_43, %get3A_44] : memref<1152x768xbf16, #tpu.memory_space<vmem>>, vector<1152x768xbf16>
      %dot_general3A_46 = arith.constant dense<0.000000e+00> : vector<128x1152xf32>
      %dot_general3A_47 = tpu.matmul %convert_element_type3A_38, %get3A_45, %dot_general3A_46 {dimension_numbers = #tpu.dot_dimension_numbers<[1], [1], [0], [0], [0, 0, 1, 0], [], []>, transpose_lhs_hint = false} : vector<128x768xbf16>, vector<1152x768xbf16>, vector<128x1152xf32> -> vector<128x1152xf32>
      %neg3A = arith.constant 0.000000e+00 : f32
      %neg3A_48 = vector.broadcast %neg3A : f32 to vector<128x1152xf32>
      %neg3A_49 = arith.subf %neg3A_48, %dot_general3A_42 : vector<128x1152xf32>
      %exp3A = math.exp %neg3A_49 : vector<128x1152xf32>
      %add3A = arith.constant 1.000000e+00 : f32
      %add3A_50 = vector.broadcast %add3A : f32 to vector<128x1152xf32>
      %add3A_51 = arith.addf %add3A_50, %exp3A : vector<128x1152xf32>
      %div3A = arith.constant 1.000000e+00 : f32
      %div3A_52 = vector.broadcast %div3A : f32 to vector<128x1152xf32>
      %div3A_53 = arith.divf %div3A_52, %add3A_51 : vector<128x1152xf32>
      %mul3A = arith.mulf %dot_general3A_42, %div3A_53 : vector<128x1152xf32>
      %mul3A_54 = arith.mulf %mul3A, %dot_general3A_47 : vector<128x1152xf32>
      %convert_element_type3A_55 = arith.truncf %mul3A_54 : vector<128x1152xf32> to vector<128x1152xbf16>
      %get3A_56 = arith.constant 0 : index
      %get3A_57 = arith.constant 0 : index
      %get3A_58 = vector.load %arg13[%get3A_56, %get3A_57] : memref<768x1152xbf16, #tpu.memory_space<vmem>>, vector<768x1152xbf16>
      %dot_general3A_59 = arith.constant dense<0.000000e+00> : vector<128x768xf32>
      %dot_general3A_60 = tpu.matmul %convert_element_type3A_55, %get3A_58, %dot_general3A_59 {dimension_numbers = #tpu.dot_dimension_numbers<[1], [1], [0], [0], [0, 0, 1, 0], [], []>, transpose_lhs_hint = false} : vector<128x1152xbf16>, vector<768x1152xbf16>, vector<128x768xf32> -> vector<128x768xf32>
      %swap3A = arith.constant 0 : index
      %swap3A_61 = arith.constant 0 : index
      %swap3A_62 = vector.load %arg7[%swap3A, %swap3A_61] : memref<128x768xf32, #tpu.memory_space<vmem>>, vector<128x768xf32>
      tpu.vector_store %arg7[%swap3A, %swap3A_61], %dot_general3A_60 {strides = array<i32>} : memref<128x768xf32, #tpu.memory_space<vmem>>, vector<128x768xf32>,
    } else {
    }
    return
  }
  func.func @transform_0(%arg0: i32, %arg1: memref<64xi32, #tpu.memory_space<smem>>, %arg2: memref<64x5xi32, #tpu.memory_space<smem>>) -> (i32, i32) {
    %c0_i32 = arith.constant 0 : i32
    %c0_i32_0 = arith.constant 0 : i32
    return %arg0, %c0_i32 : i32, i32
  }
  func.func @transform_4(%arg0: i32, %arg1: memref<64xi32, #tpu.memory_space<smem>>, %arg2: memref<64x5xi32, #tpu.memory_space<smem>>) -> (i32, i32) {
    %c0_i32 = arith.constant 0 : i32
    %c0_i32_0 = arith.constant 0 : i32
    return %arg0, %c0_i32 : i32, i32
  }
}

</mosaic_0001>

<sc_bundles>
// kernel: kernel.6.cloned.1.call-start
scs
__scs_entry_jumppad:
0x0: {  	(pc) =	sbr.rel $0x88, $3  }
0x1: {  	(tag) =	ssettag $0x0;
	lr =	simm.s32 $0x1  }
0x2: {  	[smem:$0x3F9C] =	sst lr;
	_ =	strace $0xD0000000  }
0x3: {  	_ = 	snop  }
0x4: {  	_ = 	snop  }
0x5: {  	_ = 	snop  }
0x6: {  	_ = 	snop  }
0x7: {  	_ = 	snop  }
__scs_overlays_trampoline_lowered:
0x8: {  	[smem:$0x3FAB] =	sst s0  }
0x9: {  	[smem:$0x3FAC] =	sst s1  }
0xa: {  	[smem:$0x3FAD] =	sst s2  }
0xb: {  	[smem:$0x3FAE] =	sst s3  }
0xc: {  	[smem:$0x3FAF] =	sst s4  }
0xd: {  	[smem:$0x3FB0] =	sst s5  }
0xe: {  	[smem:$0x3FB1] =	sst s6  }
0xf: {  	[smem:$0x3FB2] =	sst s7  }
0x10: {  	[smem:$0x3FB3] =	sst s8  }
0x11: {  	[smem:$0x3FB4] =	sst s9;
	s0 =	simm.s32 @!p0 $0x0  }
0x12: {  	s1 =	sld [smem:$0x3F9A];
	s0 =	simm.s32 @p0 $0x1  }
0x13: {  	[smem:$0x3FB5] =	sst s0;
	s0 =	simm.s32 @!p1 $0x0  }
0x14: {  	s2 =	sld [smem:$0x3F99];
	s0 =	simm.s32 @p1 $0x1  }
0x15: {  	[smem:$0x3FB6] =	sst s0;
	s0 =	simm.s32 @!p2 $0x0  }
0x16: {  	s3 =	sld [smem:$0x3FDB];
	s0 =	simm.s32 @p2 $0x1  }
0x17: {  	s4 =	simm.s32 $0x1BF5;
	[smem:$0x3FB8] =	sst s0  }
0x18: {  	s0 =	sld [smem:$0x3F9B];
	_ =	swait.ge [sflag:s4], $0x0  }
0x19: {  	s7 =	sld [smem:$0x3F9C]  }
0x1a: {  	s8 =	sadd.s32 $0xFFFFE003, lr  }
0x1b: {  	s9 =	sadd.s32 $0xFFFFFEF7, lr;
	s5 =	simm.s32 $0xFFFFFFFF;
	p2 =	slt.u32 s8, $0xFFFFF086  }
0x1c: {  	p1 =	slt.u32 s9, $0xF7A;
	s5 =	simm.s32 @!p2 $0x0  }
0x1d: {  	s5 =	simm.s32 @p1 $0x1;
	p0 =	seq.s32 s7, s2  }
0x1e: {  	s7 =	smul.u32 @!p0 $0xF7A, s2;
	p2 =	seq.s32 @!p0 s5, $0x0  }
0x1f: {  	s9 =	smul.u32 $0xF7A, s1;
	s8 =	simm.s32 @!p0 $0x1BF5;
	p2 =	por !p2, p0  }
0x20: {  	[sflag:s8] =	ssyncset.s32 @!p0 $0xFFFFF086;
	s6 =	sadd.s32 @!p0 s3, s7;
	s7 =	simm.s32 @!p0 $0x108  }
0x21: {  	s3 =	sadd.s32 s3, s9;
	s6 =	sadd.s32 @!p0 $0x88, s6;
	s7 =	simm.s32 @p2 $0x1082  }
0x22: {  	[simem:s7], [sflag:s8] =	dma.local @!p0 [hbm:s6], $0xF7A  }
0x23: {  	s9 =	sor.u32 $0xD0000000, s2;
	s6 =	simm.s32 $0x108;
	_ =	swait.ge @!p0 [sflag:s8], $0x0  }
0x24: {  	s3 =	sadd.s32 $0x88, s3;
	s6 =	simm.s32 @!p1 $0x1082;
	[sflag:s4] =	ssyncset.s32 $0xFFFFF086  }
0x25: {  	[simem:s6], [sflag:s4] =	dma.local [hbm:s3], $0xF7A  }
0x26: {  	[smem:$0x3F9C] =	sst s1;
	(tag) =	ssettag s2;
	_ =	strace s9  }
0x27: {  	s1 =	sld [smem:$0x3FAC]  }
0x28: {  	s2 =	sld [smem:$0x3FAD]  }
0x29: {  	s4 =	sld [smem:$0x3FAF]  }
0x2a: {  	p0 =	seq.s32 s5, $0x0;
	s5 =	sld [smem:$0x3FB0]  }
0x2b: {  	s6 =	sld [smem:$0x3FB1]  }
0x2c: {  	s7 =	sld [smem:$0x3FB2]  }
0x2d: {  	s3 =	simm.s32 $0x108;
	s8 =	sld [smem:$0x3FB3]  }
0x2e: {  	s3 =	simm.s32 @!p0 $0x1082;
	s9 =	sld [smem:$0x3FB4]  }
0x2f: {  	lr =	sadd.s32 s0, s3;
	s0 =	sld [smem:$0x3FAB]  }
0x30: {  	s3 =	sld [smem:$0x3FAE]  }
0x31: {  	[smem:$0x3FB7] =	sst s10  }
0x32: {  	s10 =	sld [smem:$0x3FB5];
	_ =	sdelay $0x3  }
0x33: {  	p0 =	seq.s32 s10, $0x1;
	s10 =	sld [smem:$0x3FB7];
	_ =	sdelay $0x3  }
0x34: {  	[smem:$0x3FB7] =	sst s10  }
0x35: {  	s10 =	sld [smem:$0x3FB6];
	_ =	sdelay $0x3  }
0x36: {  	p1 =	seq.s32 s10, $0x1;
	s10 =	sld [smem:$0x3FB7];
	_ =	sdelay $0x3  }
0x37: {  	[smem:$0x3FB7] =	sst s10  }
0x38: {  	s10 =	sld [smem:$0x3FB8]  }
0x39: {  	_ = 	snop;
	(pc) =	sbr.ind lr, $3  }
0x3a: {  	_ = 	snop  }
0x3b: {  	_ = 	snop  }
0x3c: {  	p2 =	seq.s32 s10, $0x1;
	s10 =	sld [smem:$0x3FB7]  }
0x3d: {  	_ =	shalt  }
0x3e: {  	_ =	shalt  }
0x3f: {  	_ =	shalt  }
0x40: {  	_ =	shalt  }
0x41: {  	_ =	shalt  }
0x42: {  	_ =	shalt  }
0x43: {  	_ =	shalt  }
0x44: {  	_ =	shalt  }
0x45: {  	_ =	shalt  }
0x46: {  	_ =	shalt  }
0x47: {  	_ =	shalt  }
0x48: {  	_ =	shalt  }
0x49: {  	_ =	shalt  }
0x4a: {  	_ =	shalt  }
0x4b: {  	_ =	shalt  }
0x4c: {  	_ =	shalt  }
0x4d: {  	_ =	shalt  }
0x4e: {  	_ =	shalt  }
0x4f: {  	_ =	shalt  }
0x50: {  	_ =	shalt  }
0x51: {  	_ =	shalt  }
0x52: {  	_ =	shalt  }
0x53: {  	_ =	shalt  }
0x54: {  	_ =	shalt  }
0x55: {  	_ =	shalt  }
0x56: {  	_ =	shalt  }
0x57: {  	_ =	shalt  }
0x58: {  	_ =	shalt  }
0x59: {  	_ =	shalt  }
0x5a: {  	_ =	shalt  }
0x5b: {  	_ =	shalt  }
0x5c: {  	_ =	shalt  }
0x5d: {  	_ =	shalt  }
0x5e: {  	_ =	shalt  }
0x5f: {  	_ =	shalt  }
0x60: {  	_ =	shalt  }
0x61: {  	_ =	shalt  }
0x62: {  	_ =	shalt  }
0x63: {  	_ =	shalt  }
0x64: {  	_ =	shalt  }
0x65: {  	_ =	shalt  }
0x66: {  	_ =	shalt  }
0x67: {  	_ =	shalt  }
0x68: {  	_ =	shalt  }
0x69: {  	_ =	shalt  }
0x6a: {  	_ =	shalt  }
0x6b: {  	_ =	shalt  }
0x6c: {  	_ =	shalt  }
0x6d: {  	_ =	shalt  }
0x6e: {  	_ =	shalt  }
0x6f: {  	_ =	shalt  }
0x70: {  	_ =	shalt  }
0x71: {  	_ =	shalt  }
0x72: {  	_ =	shalt  }
0x73: {  	_ =	shalt  }
0x74: {  	_ =	shalt  }
0x75: {  	_ =	shalt  }
0x76: {  	_ =	shalt  }
0x77: {  	_ =	shalt  }
0x78: {  	_ =	shalt  }
0x79: {  	_ =	shalt  }
0x7a: {  	_ =	shalt  }
0x7b: {  	_ =	shalt  }
0x7c: {  	_ =	shalt  }
0x7d: {  	_ =	shalt  }
0x7e: {  	_ =	shalt  }
0x7f: {  	_ =	shalt  }
0x80: {  	_ =	shalt  }
0x81: {  	_ =	shalt  }
0x82: {  	_ =	shalt  }
0x83: {  	_ =	shalt  }
0x84: {  	_ =	shalt  }
0x85: {  	_ =	shalt  }
0x86: {  	_ =	shalt  }
0x87: {  	_ =	shalt  }
.Lfunc_end0:
.L_simem_size_0:
called_computation_lowered:
.L_overlay_start_0:
0x88: {  	s2 =	sld [smem:$0x3FD9]  }
0x89: {  	s3 =	sld [smem:$0x3FFE];
	_ =	sdelay $0x1  }
0x8a: {  	s1 =	srdreg.scid  }
0x8b: {  	s0 =	sand.u32 $0x1, s1  }
0x8c: {  	s17 =	sshll.u32 s0, $0xA;
	s2 =	sadd.s32 s3, s2  }
0x8d: {  	s2 =	sadd.s32 s2, s17  }
0x8e: {  	[smem:$0x3FC3] =	sst s2  }
0x8f: {  	_ = 	snop  }
0x90: {  	s2 =	sld [smem:$0x3FC9];
	(tm) =	ssettm $0x1  }
0x91: {  	s18 =	sld [smem:$0x3FFB];
	_ =	sdelay $0x3  }
0x92: {  	_ =	strace s18  }
0x93: {  	s3 =	sld [smem:$0x3FFC];
	_ =	sdelay $0x3  }
0x94: {  	_ =	strace s3  }
0x95: {  	s3 =	sld [smem:$0x3FFD];
	_ =	sdelay $0x3  }
0x96: {  	_ =	strace s3  }
0x97: {  	_ =	strace $0x8FFFFFFF  }
0x98: {  	s19 =	sld [smem:$0x3FDB];
	_ =	sdelay $0x1  }
0x99: {  	s4 =	simm.s32 $_scs_section_size  }
0x9a: {  	s5 =	simm.s32 $_size__tile_overlayer_lowered;
	s6 =	simm.s32 $_tile_overlayer_lowered  }
0x9b: {  	s22 =	simm.s32 $0x1BFF;
	s21 =	sshll.u32 s6, $0x1;
	s3 =	sadd.s32 s4, s19  }
0x9c: {  	s7 =	simm.s32 $0x0;
	s20 =	sshll.u32 s5, $0x1;
	s5 =	sadd.s32 s21, s3  }
0x9d: {  	[timem:s7], [sflag:s22] =	dma.local [hbm:s5], s20  }
0x9e: {  	_ =	swait.ge [sflag:s22], s20  }
0x9f: {  	s4 =	ssub.s32 $0x0, s20;
	[sflag:s22] =	ssyncset.done $0x0  }
0xa0: {  	[sflag:s22] =	ssyncadd.s32 s4;
	_ =	sdelay $0x1  }
0xa1: {  	s23 =	simm.s32 $0x1B8B  }
0xa2: {  	_ =	swait.ge [sflag:s23], $0x1  }
0xa3: {  	[sflag:s23] =	ssyncset.done $0x0  }
0xa4: {  	s25 =	simm.s32 $0x1B8E;
	s24 =	sld [smem:$0x3FFE];
	[sflag:s23] =	ssyncadd.s32 $0xFFFFFFFF  }
0xa5: {  	s26 =	simm.s32 $execute0_lowered;
	[smem:$0x3FD2] =	sst s25  }
0xa6: {  	s5 =	sshll.u32 s26, $0x1;
	_ =	strace $0x80000046;
	[dreg:$0x1] =	wrdreg $0xFFFFFFFF  }
0xa7: {  	s28 =	simm.s32 $_size_execute0_lowered;
	s3 =	sadd.s32 s3, s5;
	[dreg:$0x0] =	wrdreg $0x0  }
0xa8: {  	s5 =	sshll.u32 s28, $0x1;
	[dreg:$0x2] =	wrdreg s3  }
0xa9: {  	[dreg:$0x3] =	wrdreg s5  }
0xaa: {  	[dreg:$0x4] =	wrdreg $0xC0  }
0xab: {  	_ =	task [dreg:s7], $0x5FFFF  }
0xac: {  	[dreg:$0x1] =	wrdreg $0xFFFFFFFF  }
0xad: {  	[dreg:$0x0] =	wrdreg $0x60  }
0xae: {  	[dreg:$0x2] =	wrdreg s2  }
0xaf: {  	[dreg:$0x3] =	wrdreg s24  }
0xb0: {  	[dreg:$0x4] =	wrdreg $0x9  }
0xb1: {  	_ =	task.clear_ibuf [dreg:s7], $0x5FFFF;
	_ =	strace $0x90000046  }
0xb2: {  	s29 =	simm.s32 $0x9;
	_ =	strace $0x80000048  }
0xb3: {  	_ =	swait.ge [sflag:s29], $0x1  }
0xb4: {  	[sflag:s29] =	ssyncadd.s32 $0xFFFFFFFF  }
0xb5: {  	_ =	strace $0x90000048  }
0xb6: {  	_ =	sfence  }
0xb7: {  	s30 =	sld [smem:$0x0];
	_ =	sdelay $0x2  }
0xb8: {  	s31 =	sshll.u32 s1, $0xD;
	s1 =	sshrl.u32 s1, $0x2  }
0xb9: {  	s3 =	sand.u32 $0x4000, s31;
	s1 =	sadd.s32 s1, s30  }
0xba: {  	s0 =	sor.u32 s3, s0;
	s1 =	sshll.u32 s1, $0x11  }
0xbb: {  	s0 =	sor.u32 s1, s0  }
0xbc: {  	s0 =	sadd.s32 $0x8F2B, s0  }
0xbd: {  	[sflag:s0] =	ssyncadd.remote.s32 $0x1  }
0xbe: {  	_ =	sfence.sel $0xFFFF  }
0xbf: {  	[dreg:$0x0] =	wrdreg $0xFFFFFFFF;
	(pc) =	sbr.abs _section_cstart, $3  }
0xc0: {  	[dreg:$0x1] =	wrdreg $0xFFFFFFFF  }
0xc1: {  	_ =	task.clear_ibuf [dreg:s7], $0x2FFFF;
	_ =	strace $0x9FFFFFFF  }
0xc2: {  	(tm) =	ssettm $0x7FFFFFFF  }
0xc3: {  	_ =	shalt  }
tec
execute0_lowered:
.L_overlay_start_1:
0x0: {  	(tag) =	ssettag $0x1  }
0x1: {  	s3 =	rddreg [dreg:$0x0]  }
0x2: {  	s5 =	rddreg [dreg:$0x1];
	s2 =	simm.s32 $0x0  }
0x3: {  	s0 =	stileid.u32;
	s25 =	simm.s32 $0x880;
	[smem:$0x7FF] =	sst s2  }
0x4: {  	s26 =	simm.s32 $0x1080;
	_ =	strace $0x80000047;
	[dreg:$0x5] =	wrdreg s25  }
0x5: {  	s4 =	sshll.u32 s0, $0x5;
	s0 =	simm.s32 $0x1880;
	[dreg:$0x6] =	wrdreg s26  }
0x6: {  	s7 =	simm.s32 $0x3080;
	[dreg:$0x7] =	wrdreg s0  }
0x7: {  	s8 =	simm.s32 $0x3880;
	[dreg:$0xa] =	wrdreg s7  }
0x8: {  	s9 =	simm.s32 $0x4080;
	[dreg:$0xb] =	wrdreg s8  }
0x9: {  	s10 =	simm.s32 $0x4880;
	[dreg:$0xc] =	wrdreg s9  }
0xa: {  	s11 =	simm.s32 $0x5080;
	[dreg:$0xd] =	wrdreg s10  }
0xb: {  	s12 =	simm.s32 $0x5880;
	[dreg:$0xe] =	wrdreg s11  }
0xc: {  	s13 =	simm.s32 $0x6080;
	[dreg:$0xf] =	wrdreg s12  }
0xd: {  	s14 =	simm.s32 $0x6880;
	[dreg:$0x10] =	wrdreg s13  }
0xe: {  	s15 =	simm.s32 $0x7080;
	[dreg:$0x11] =	wrdreg s14  }
0xf: {  	s16 =	simm.s32 $0x7880;
	[dreg:$0x12] =	wrdreg s15  }
0x10: {  	s1 =	srdreg.scid;
	s17 =	simm.s32 $0x8080;
	[dreg:$0x13] =	wrdreg s16  }
0x11: {  	s18 =	simm.s32 $0x8880;
	s19 =	simm.s32 $0x9080;
	[dreg:$0x14] =	wrdreg s17  }
0x12: {  	s21 =	simm.s32 $0x9880;
	s22 =	simm.s32 $0xA080;
	[dreg:$0x15] =	wrdreg s18  }
0x13: {  	s23 =	simm.s32 $0xA880;
	s24 =	simm.s32 $0xB880;
	[dreg:$0x16] =	wrdreg s19  }
0x14: {  	s28 =	simm.s32 $0x15880;
	s29 =	simm.s32 $0x16080;
	[dreg:$0x17] =	wrdreg s21  }
0x15: {  	s30 =	simm.s32 $0x16880;
	s1 =	sand.u32 $0x1, s1;
	[dreg:$0x18] =	wrdreg s22  }
0x16: {  	s31 =	simm.s32 $0x17080;
	s6 =	sshll.u32 s1, $0x4;
	[dreg:$0x19] =	wrdreg s23  }
0x17: {  	s1 =	ssub.s32 $0x2, s1;
	s7 =	simm.s32 $0xB080;
	[dreg:$0x1b] =	wrdreg s24  }
0x18: {  	s25 =	simm.s32 $0xC080;
	s8 =	simm.s32 $0x80;
	s26 =	simm.s32 $0xC880  }
0x19: {  	s9 =	simm.s32 $0x1;
	s11 =	simm.s32 $0xD880;
	s12 =	simm.s32 $0xE080  }
0x1a: {  	s13 =	simm.s32 $0xE880;
	s14 =	simm.s32 $0xF080;
	s15 =	simm.s32 $0xF880  }
0x1b: {  	s16 =	simm.s32 $0x10080;
	s17 =	simm.s32 $0x10880;
	s18 =	simm.s32 $0x11080  }
0x1c: {  	s19 =	simm.s32 $0x11880;
	s21 =	simm.s32 $0x12880;
	s22 =	simm.s32 $0x13080  }
0x1d: {  	s23 =	simm.s32 $0x13880;
	s24 =	simm.s32 $0x14080;
	s4 =	sor.u32 s6, s4  }
0x1e: {  	s20 =	sshrl.u32 s1, $0x1;
	[dreg:$0x1a] =	wrdreg s7;
	s7 =	simm.s32 $0x2  }
0x1f: {  	[dreg:$0x1c] =	wrdreg s25;
	s6 =	sadd.s32 s4, s5;
	s4 =	smul.u32 $0x300, s4  }
0x20: {  	[dreg:$0x1d] =	wrdreg s26;
	s25 =	simm.s32 $0x14880;
	s6 =	sadd.s32 $0x1400, s6  }
0x21: {  	s26 =	simm.s32 $0x15080;
	[dreg:$0x3] =	wrdreg s6;
	s3 =	sadd.s32 s3, s4  }
0x22: {  	s1 =	ssub.s32 s1, s20;
	s4 =	simm.s32 $0x2080;
	[dreg:$0x4] =	wrdreg s3  }
0x23: {  	v2 =	vlaneseq.u32;
	s20 =	simm.s32 $0x12080;
	s6 =	simm.s32 $0x2880;
	[dreg:$0x8] =	wrdreg s4  }
0x24: {  	vm0 =	vmmov $0xffff;
	v1 =	vshrl.u32 v2, $0x3;
	[dreg:$0x9] =	wrdreg s6;
	s3 =	sadd.s32 $0x1800, s5;
	s4 =	sadd.s32 $0x1900, s5  }
0x25: {  	v0 =	vand.u32 $0x7, v2;
	v2 =	vor.u32 $0x8, v2;
	v1 =	vmul.u32 $0x8, v1;
	s5 =	sadd.s32 $0x1A00, s5;
	s6 =	smax.u32 s1, $0x1;
	s1 =	simm.s32 $0x17880  }
.LBB2_1:
0x26: {  	s0 =	rddreg [dreg:$0x3]  }
0x27: {  	[tilespmem:s2], [sflag:$0x2] =	stream.linear.gather [hbm4b:s0+s2], $0x80, $0x38;
	[tilespmem:$0x18080] =	vst v63  }
0x28: {  	_ =	swait.ge [sflag:s7], $0x80  }
0x29: {  	[sflag:s7] =	ssyncset.done $0x0  }
0x2a: {  	s10 =	rddreg [dreg:$0x4];
	[sflag:s7] =	ssyncadd.s32 $0xFFFFFF80  }
0x2b: {  	[tilespmem:s8], [sflag:$0x1] =	stream.linear.gather [hbm4b:s10+s2], $0x18000, $0x38;
	[tilespmem:$0x18080] =	vst v63  }
0x2c: {  	_ =	swait.ge [sflag:s9], $0x18000  }
0x2d: {  	[sflag:s9] =	ssyncset.done $0x0  }
0x2e: {  	[sflag:s9] =	ssyncadd.s32 $0xFFFE8000  }
0x2f: {  	v3 =	vld [tilespmem:$0x0];
	_ =	sdelay $0x4  }
0x30: {  	v4 =	vshrl.u32 v3, $0x3  }
0x31: {  	v4 =	vmul.u32 $0x30, v4  }
0x32: {  	v3 =	vand.u32 $0x7, v3  }
0x33: {  	v3 =	vor.u32 v3, v4  }
0x34: {  	v4 =	vperm.xlane v3, v0;
	_ =	sdelay $0x1  }
0x35: {  	v4 =	vadd.s32 v1, v4;
	_ =	sdelay $0x3  }
0x36: {  	v3 =	vperm.xlane v3, v2  }
0x37: {  	[hbm4b:s3+s2] =	stream.indirect_vreg.scatter [tilespmem:s8], [sflag:$0x2], $0x80, v4, vm0, $0xb8;
	[tilespmem:$0x18080] =	vst v63  }
0x38: {  	s0 =	rddreg [dreg:$0x5];
	v3 =	vadd.s32 v1, v3  }
0x39: {  	[hbm4b:s4+s2] =	stream.indirect_vreg.scatter [tilespmem:s0], [sflag:$0x2], $0x80, v4, vm0, $0xb8;
	[tilespmem:$0x18080] =	vst v63  }
0x3a: {  	s10 =	rddreg [dreg:$0x6]  }
0x3b: {  	[hbm4b:s5+s2] =	stream.indirect_vreg.scatter [tilespmem:s10], [sflag:$0x2], $0x80, v4, vm0, $0xb8;
	[tilespmem:$0x18080] =	vst v63  }
0x3c: {  	s0 =	rddreg [dreg:$0x7]  }
0x3d: {  	[hbm4b:s3+s2] =	stream.indirect_vreg.scatter [tilespmem:s0], [sflag:$0x2], $0x80, v3, vm0, $0xb8;
	[tilespmem:$0x18080] =	vst v63  }
0x3e: {  	s10 =	rddreg [dreg:$0x8]  }
0x3f: {  	[hbm4b:s4+s2] =	stream.indirect_vreg.scatter [tilespmem:s10], [sflag:$0x2], $0x80, v3, vm0, $0xb8;
	[tilespmem:$0x18080] =	vst v63  }
0x40: {  	s0 =	rddreg [dreg:$0x9]  }
0x41: {  	[hbm4b:s5+s2] =	stream.indirect_vreg.scatter [tilespmem:s0], [sflag:$0x2], $0x80, v3, vm0, $0xb8;
	[tilespmem:$0x18080] =	vst v63  }
0x42: {  	v3 =	vld [tilespmem:$0x10];
	_ =	sdelay $0x4  }
0x43: {  	v57 =	vshrl.u32 v3, $0x3  }
0x44: {  	v4 =	vmul.u32 $0x30, v57  }
0x45: {  	v3 =	vand.u32 $0x7, v3  }
0x46: {  	v3 =	vor.u32 v3, v4  }
0x47: {  	v4 =	vperm.xlane v3, v0;
	_ =	sdelay $0x1  }
0x48: {  	v4 =	vadd.s32 v1, v4;
	_ =	sdelay $0x3  }
0x49: {  	s0 =	rddreg [dreg:$0xa];
	v3 =	vperm.xlane v3, v2  }
0x4a: {  	[hbm4b:s3+s2] =	stream.indirect_vreg.scatter [tilespmem:s0], [sflag:$0x2], $0x80, v4, vm0, $0xb8;
	[tilespmem:$0x18080] =	vst v63  }
0x4b: {  	s10 =	rddreg [dreg:$0xb];
	v3 =	vadd.s32 v1, v3  }
0x4c: {  	[hbm4b:s4+s2] =	stream.indirect_vreg.scatter [tilespmem:s10], [sflag:$0x2], $0x80, v4, vm0, $0xb8;
	[tilespmem:$0x18080] =	vst v63  }
0x4d: {  	s0 =	rddreg [dreg:$0xc]  }
0x4e: {  	[hbm4b:s5+s2] =	stream.indirect_vreg.scatter [tilespmem:s0], [sflag:$0x2], $0x80, v4, vm0, $0xb8;
	[tilespmem:$0x18080] =	vst v63  }
0x4f: {  	s10 =	rddreg [dreg:$0xd]  }
0x50: {  	[hbm4b:s3+s2] =	stream.indirect_vreg.scatter [tilespmem:s10], [sflag:$0x2], $0x80, v3, vm0, $0xb8;
	[tilespmem:$0x18080] =	vst v63  }
0x51: {  	s0 =	rddreg [dreg:$0xe]  }
0x52: {  	[hbm4b:s4+s2] =	stream.indirect_vreg.scatter [tilespmem:s0], [sflag:$0x2], $0x80, v3, vm0, $0xb8;
	[tilespmem:$0x18080] =	vst v63  }
0x53: {  	s10 =	rddreg [dreg:$0xf]  }
0x54: {  	[hbm4b:s5+s2] =	stream.indirect_vreg.scatter [tilespmem:s10], [sflag:$0x2], $0x80, v3, vm0, $0xb8;
	[tilespmem:$0x18080] =	vst v63  }
0x55: {  	v3 =	vld [tilespmem:$0x20];
	_ =	sdelay $0x4  }
0x56: {  	v58 =	vshrl.u32 v3, $0x3  }
0x57: {  	v4 =	vmul.u32 $0x30, v58  }
0x58: {  	v3 =	vand.u32 $0x7, v3  }
0x59: {  	v3 =	vor.u32 v3, v4  }
0x5a: {  	v4 =	vperm.xlane v3, v0;
	_ =	sdelay $0x1  }
0x5b: {  	v4 =	vadd.s32 v1, v4;
	_ =	sdelay $0x3  }
0x5c: {  	s0 =	rddreg [dreg:$0x10];
	v3 =	vperm.xlane v3, v2  }
0x5d: {  	[hbm4b:s3+s2] =	stream.indirect_vreg.scatter [tilespmem:s0], [sflag:$0x2], $0x80, v4, vm0, $0xb8;
	[tilespmem:$0x18080] =	vst v63  }
0x5e: {  	s10 =	rddreg [dreg:$0x11];
	v3 =	vadd.s32 v1, v3  }
0x5f: {  	[hbm4b:s4+s2] =	stream.indirect_vreg.scatter [tilespmem:s10], [sflag:$0x2], $0x80, v4, vm0, $0xb8;
	[tilespmem:$0x18080] =	vst v63  }
0x60: {  	s0 =	rddreg [dreg:$0x12]  }
0x61: {  	[hbm4b:s5+s2] =	stream.indirect_vreg.scatter [tilespmem:s0], [sflag:$0x2], $0x80, v4, vm0, $0xb8;
	[tilespmem:$0x18080] =	vst v63  }
0x62: {  	s10 =	rddreg [dreg:$0x13]  }
0x63: {  	[hbm4b:s3+s2] =	stream.indirect_vreg.scatter [tilespmem:s10], [sflag:$0x2], $0x80, v3, vm0, $0xb8;
	[tilespmem:$0x18080] =	vst v63  }
0x64: {  	s0 =	rddreg [dreg:$0x14]  }
0x65: {  	[hbm4b:s4+s2] =	stream.indirect_vreg.scatter [tilespmem:s0], [sflag:$0x2], $0x80, v3, vm0, $0xb8;
	[tilespmem:$0x18080] =	vst v63  }
0x66: {  	s10 =	rddreg [dreg:$0x15]  }
0x67: {  	[hbm4b:s5+s2] =	stream.indirect_vreg.scatter [tilespmem:s10], [sflag:$0x2], $0x80, v3, vm0, $0xb8;
	[tilespmem:$0x18080] =	vst v63  }
0x68: {  	v3 =	vld [tilespmem:$0x30];
	_ =	sdelay $0x4  }
0x69: {  	v59 =	vshrl.u32 v3, $0x3  }
0x6a: {  	v4 =	vmul.u32 $0x30, v59  }
0x6b: {  	v3 =	vand.u32 $0x7, v3  }
0x6c: {  	v3 =	vor.u32 v3, v4  }
0x6d: {  	v4 =	vperm.xlane v3, v0;
	_ =	sdelay $0x1  }
0x6e: {  	v4 =	vadd.s32 v1, v4;
	_ =	sdelay $0x3  }
0x6f: {  	s0 =	rddreg [dreg:$0x16];
	v3 =	vperm.xlane v3, v2  }
0x70: {  	[hbm4b:s3+s2] =	stream.indirect_vreg.scatter [tilespmem:s0], [sflag:$0x2], $0x80, v4, vm0, $0xb8;
	[tilespmem:$0x18080] =	vst v63  }
0x71: {  	s10 =	rddreg [dreg:$0x17];
	v3 =	vadd.s32 v1, v3  }
0x72: {  	[hbm4b:s4+s2] =	stream.indirect_vreg.scatter [tilespmem:s10], [sflag:$0x2], $0x80, v4, vm0, $0xb8;
	[tilespmem:$0x18080] =	vst v63  }
0x73: {  	s0 =	rddreg [dreg:$0x18]  }
0x74: {  	[hbm4b:s5+s2] =	stream.indirect_vreg.scatter [tilespmem:s0], [sflag:$0x2], $0x80, v4, vm0, $0xb8;
	[tilespmem:$0x18080] =	vst v63  }
0x75: {  	s10 =	rddreg [dreg:$0x19]  }
0x76: {  	[hbm4b:s3+s2] =	stream.indirect_vreg.scatter [tilespmem:s10], [sflag:$0x2], $0x80, v3, vm0, $0xb8;
	[tilespmem:$0x18080] =	vst v63  }
0x77: {  	s0 =	rddreg [dreg:$0x1a]  }
0x78: {  	[hbm4b:s4+s2] =	stream.indirect_vreg.scatter [tilespmem:s0], [sflag:$0x2], $0x80, v3, vm0, $0xb8;
	[tilespmem:$0x18080] =	vst v63  }
0x79: {  	s10 =	rddreg [dreg:$0x1b]  }
0x7a: {  	[hbm4b:s5+s2] =	stream.indirect_vreg.scatter [tilespmem:s10], [sflag:$0x2], $0x80, v3, vm0, $0xb8;
	[tilespmem:$0x18080] =	vst v63  }
0x7b: {  	v3 =	vld [tilespmem:$0x40];
	_ =	sdelay $0x4  }
0x7c: {  	v60 =	vshrl.u32 v3, $0x3  }
0x7d: {  	v4 =	vmul.u32 $0x30, v60  }
0x7e: {  	v3 =	vand.u32 $0x7, v3  }
0x7f: {  	v3 =	vor.u32 v3, v4  }
0x80: {  	v4 =	vperm.xlane v3, v0;
	_ =	sdelay $0x1  }
0x81: {  	v4 =	vadd.s32 v1, v4;
	_ =	sdelay $0x3  }
0x82: {  	s0 =	rddreg [dreg:$0x1c];
	v3 =	vperm.xlane v3, v2  }
0x83: {  	[hbm4b:s3+s2] =	stream.indirect_vreg.scatter [tilespmem:s0], [sflag:$0x2], $0x80, v4, vm0, $0xb8;
	[tilespmem:$0x18080] =	vst v63  }
0x84: {  	s10 =	rddreg [dreg:$0x1d];
	v3 =	vadd.s32 v1, v3  }
0x85: {  	[hbm4b:s4+s2] =	stream.indirect_vreg.scatter [tilespmem:s10], [sflag:$0x2], $0x80, v4, vm0, $0xb8;
	[tilespmem:$0x18080] =	vst v63  }
0x86: {  	s10 =	simm.s32 $0xD080  }
0x87: {  	[hbm4b:s5+s2] =	stream.indirect_vreg.scatter [tilespmem:s10], [sflag:$0x2], $0x80, v4, vm0, $0xb8;
	[tilespmem:$0x18080] =	vst v63  }
0x88: {  	_ = 	snop  }
0x89: {  	[hbm4b:s3+s2] =	stream.indirect_vreg.scatter [tilespmem:s11], [sflag:$0x2], $0x80, v3, vm0, $0xb8;
	[tilespmem:$0x18080] =	vst v63  }
0x8a: {  	_ = 	snop  }
0x8b: {  	[hbm4b:s4+s2] =	stream.indirect_vreg.scatter [tilespmem:s12], [sflag:$0x2], $0x80, v3, vm0, $0xb8;
	[tilespmem:$0x18080] =	vst v63  }
0x8c: {  	_ = 	snop  }
0x8d: {  	[hbm4b:s5+s2] =	stream.indirect_vreg.scatter [tilespmem:s13], [sflag:$0x2], $0x80, v3, vm0, $0xb8;
	[tilespmem:$0x18080] =	vst v63  }
0x8e: {  	v3 =	vld [tilespmem:$0x50];
	_ =	sdelay $0x4  }
0x8f: {  	v61 =	vshrl.u32 v3, $0x3  }
0x90: {  	v4 =	vmul.u32 $0x30, v61  }
0x91: {  	v3 =	vand.u32 $0x7, v3  }
0x92: {  	v3 =	vor.u32 v3, v4  }
0x93: {  	v4 =	vperm.xlane v3, v0;
	_ =	sdelay $0x1  }
0x94: {  	v4 =	vadd.s32 v1, v4;
	_ =	sdelay $0x3  }
0x95: {  	v3 =	vperm.xlane v3, v2  }
0x96: {  	[hbm4b:s3+s2] =	stream.indirect_vreg.scatter [tilespmem:s14], [sflag:$0x2], $0x80, v4, vm0, $0xb8;
	[tilespmem:$0x18080] =	vst v63  }
0x97: {  	v3 =	vadd.s32 v1, v3  }
0x98: {  	[hbm4b:s4+s2] =	stream.indirect_vreg.scatter [tilespmem:s15], [sflag:$0x2], $0x80, v4, vm0, $0xb8;
	[tilespmem:$0x18080] =	vst v63  }
0x99: {  	_ = 	snop  }
0x9a: {  	[hbm4b:s5+s2] =	stream.indirect_vreg.scatter [tilespmem:s16], [sflag:$0x2], $0x80, v4, vm0, $0xb8;
	[tilespmem:$0x18080] =	vst v63  }
0x9b: {  	_ = 	snop  }
0x9c: {  	[hbm4b:s3+s2] =	stream.indirect_vreg.scatter [tilespmem:s17], [sflag:$0x2], $0x80, v3, vm0, $0xb8;
	[tilespmem:$0x18080] =	vst v63  }
0x9d: {  	_ = 	snop  }
0x9e: {  	[hbm4b:s4+s2] =	stream.indirect_vreg.scatter [tilespmem:s18], [sflag:$0x2], $0x80, v3, vm0, $0xb8;
	[tilespmem:$0x18080] =	vst v63  }
0x9f: {  	_ = 	snop  }
0xa0: {  	[hbm4b:s5+s2] =	stream.indirect_vreg.scatter [tilespmem:s19], [sflag:$0x2], $0x80, v3, vm0, $0xb8;
	[tilespmem:$0x18080] =	vst v63  }
0xa1: {  	v3 =	vld [tilespmem:$0x60];
	_ =	sdelay $0x4  }
0xa2: {  	v62 =	vshrl.u32 v3, $0x3  }
0xa3: {  	v4 =	vmul.u32 $0x30, v62  }
0xa4: {  	v3 =	vand.u32 $0x7, v3  }
0xa5: {  	v3 =	vor.u32 v3, v4  }
0xa6: {  	v4 =	vperm.xlane v3, v0;
	_ =	sdelay $0x1  }
0xa7: {  	v4 =	vadd.s32 v1, v4;
	_ =	sdelay $0x3  }
0xa8: {  	v3 =	vperm.xlane v3, v2  }
0xa9: {  	[hbm4b:s3+s2] =	stream.indirect_vreg.scatter [tilespmem:s20], [sflag:$0x2], $0x80, v4, vm0, $0xb8;
	[tilespmem:$0x18080] =	vst v63  }
0xaa: {  	v3 =	vadd.s32 v1, v3  }
0xab: {  	[hbm4b:s4+s2] =	stream.indirect_vreg.scatter [tilespmem:s21], [sflag:$0x2], $0x80, v4, vm0, $0xb8;
	[tilespmem:$0x18080] =	vst v63  }
0xac: {  	_ = 	snop  }
0xad: {  	[hbm4b:s5+s2] =	stream.indirect_vreg.scatter [tilespmem:s22], [sflag:$0x2], $0x80, v4, vm0, $0xb8;
	[tilespmem:$0x18080] =	vst v63  }
0xae: {  	_ = 	snop  }
0xaf: {  	[hbm4b:s3+s2] =	stream.indirect_vreg.scatter [tilespmem:s23], [sflag:$0x2], $0x80, v3, vm0, $0xb8;
	[tilespmem:$0x18080] =	vst v63  }
0xb0: {  	_ = 	snop  }
0xb1: {  	[hbm4b:s4+s2] =	stream.indirect_vreg.scatter [tilespmem:s24], [sflag:$0x2], $0x80, v3, vm0, $0xb8;
	[tilespmem:$0x18080] =	vst v63  }
0xb2: {  	_ = 	snop  }
0xb3: {  	[hbm4b:s5+s2] =	stream.indirect_vreg.scatter [tilespmem:s25], [sflag:$0x2], $0x80, v3, vm0, $0xb8;
	[tilespmem:$0x18080] =	vst v63  }
0xb4: {  	v3 =	vld [tilespmem:$0x70];
	_ =	sdelay $0x4  }
0xb5: {  	v63 =	vshrl.u32 v3, $0x3  }
0xb6: {  	v4 =	vmul.u32 $0x30, v63  }
0xb7: {  	v3 =	vand.u32 $0x7, v3  }
0xb8: {  	v3 =	vor.u32 v3, v4  }
0xb9: {  	v4 =	vperm.xlane v3, v0;
	_ =	sdelay $0x1  }
0xba: {  	v4 =	vadd.s32 v1, v4;
	_ =	sdelay $0x3  }
0xbb: {  	v3 =	vperm.xlane v3, v2  }
0xbc: {  	[hbm4b:s3+s2] =	stream.indirect_vreg.scatter [tilespmem:s26], [sflag:$0x2], $0x80, v4, vm0, $0xb8;
	[tilespmem:$0x18080] =	vst v63  }
0xbd: {  	v3 =	vadd.s32 v1, v3  }
0xbe: {  	[hbm4b:s4+s2] =	stream.indirect_vreg.scatter [tilespmem:s28], [sflag:$0x2], $0x80, v4, vm0, $0xb8;
	[tilespmem:$0x18080] =	vst v63  }
0xbf: {  	_ = 	snop  }
0xc0: {  	[hbm4b:s5+s2] =	stream.indirect_vreg.scatter [tilespmem:s29], [sflag:$0x2], $0x80, v4, vm0, $0xb8;
	[tilespmem:$0x18080] =	vst v63  }
0xc1: {  	_ = 	snop  }
0xc2: {  	[hbm4b:s3+s2] =	stream.indirect_vreg.scatter [tilespmem:s30], [sflag:$0x2], $0x80, v3, vm0, $0xb8;
	[tilespmem:$0x18080] =	vst v63  }
0xc3: {  	p0 =	sne.s32 s6, $0x1  }
0xc4: {  	[hbm4b:s4+s2] =	stream.indirect_vreg.scatter [tilespmem:s31], [sflag:$0x2], $0x80, v3, vm0, $0xb8;
	[tilespmem:$0x18080] =	vst v63  }
.Ltmp0:
0xc5: {  	_ = 	snop;
	(pc) =	sbr.rel @p0 .LBB2_1-.Ltmp0, $4  }
0xc6: {  	[hbm4b:s5+s2] =	stream.indirect_vreg.scatter [tilespmem:s1], [sflag:$0x2], $0x80, v3, vm0, $0xb8;
	[tilespmem:$0x18080] =	vst v63  }
0xc7: {  	_ =	swait.ge [sflag:s7], $0x18000  }
0xc8: {  	[sflag:s7] =	ssyncset.done $0x0  }
0xc9: {  	s6 =	sadd.s32 $0xFFFFFFFF, s6;
	[sflag:s7] =	ssyncadd.s32 $0xFFFE8000  }
0xca: {  	_ =	sfence.sel $0x180000  }
0xcb: {  	[bflag:$0x0] =	sbarrier.arrive $0xFFFF  }
0xcc: {  	_ =	strace $0x90000047  }
0xcd: {  	s0 =	stileid.u32;
	[bflag:$0x2] =	sbarrier.arrive $0xFFFF  }
0xce: {  	p0 =	sne.s32 s0, $0x0;
	s0 =	rddreg [dreg:$0x2]  }
0xcf: {  	s0 =	sadd.s32 @!p0 $0x100000, s0  }
0xd0: {  	[sflag:s0] =	ssyncadd.tile.s32 @!p0 $0x1;
	_ =	shalt  }
.Lfunc_end2:
_tile_overlayer_lowered:
.L_overlay_start_2:
0xd1: {  	(tag) =	ssettag $0x2  }
0xd2: {  	s0 =	rddreg [dreg:$0x0];
	s2 =	stileid.u32  }
0xd3: {  	s1 =	rddreg [dreg:$0x1];
	p0 =	sne.s32 s2, $0x0  }
0xd4: {  	s3 =	rddreg [dreg:$0x2];
	[bflag:$0x3] =	sbarrier.arrive $0xFFFF;
	s2 =	simm.s32 @!p0 $0x1C02  }
0xd5: {  	[timem:s3], [sflag:s2] =	dma.local @!p0 [hbm:s0], s1  }
0xd6: {  	s0 =	simm.s32 @!p0 $0x2  }
0xd7: {  	_ =	swait.ge @!p0 [sflag:s0], s1  }
0xd8: {  	s1 =	ssub.s32 @!p0 $0x0, s1;
	[sflag:s0] =	ssyncset.done @!p0 $0x0  }
0xd9: {  	[sflag:s0] =	ssyncadd.s32 @!p0 s1  }
0xda: {  	[bflag:$0x3] =	sbarrier.arrive $0xFFFF  }
0xdb: {  	_ =	shalt  }

// kernel: kernel.9.cloned.1.call-start
scs
__scs_entry_jumppad:
0x0: {  	(pc) =	sbr.rel $0x88, $3  }
0x1: {  	(tag) =	ssettag $0x0;
	lr =	simm.s32 $0x1  }
0x2: {  	[smem:$0x3F9C] =	sst lr;
	_ =	strace $0xD0000000  }
0x3: {  	_ = 	snop  }
0x4: {  	_ = 	snop  }
0x5: {  	_ = 	snop  }
0x6: {  	_ = 	snop  }
0x7: {  	_ = 	snop  }
__scs_overlays_trampoline_lowered:
0x8: {  	[smem:$0x3FAB] =	sst s0  }
0x9: {  	[smem:$0x3FAC] =	sst s1  }
0xa: {  	[smem:$0x3FAD] =	sst s2  }
0xb: {  	[smem:$0x3FAE] =	sst s3  }
0xc: {  	[smem:$0x3FAF] =	sst s4  }
0xd: {  	[smem:$0x3FB0] =	sst s5  }
0xe: {  	[smem:$0x3FB1] =	sst s6  }
0xf: {  	[smem:$0x3FB2] =	sst s7  }
0x10: {  	[smem:$0x3FB3] =	sst s8  }
0x11: {  	[smem:$0x3FB4] =	sst s9;
	s0 =	simm.s32 @!p0 $0x0  }
0x12: {  	s1 =	sld [smem:$0x3F9A];
	s0 =	simm.s32 @p0 $0x1  }
0x13: {  	[smem:$0x3FB5] =	sst s0;
	s0 =	simm.s32 @!p1 $0x0  }
0x14: {  	s2 =	sld [smem:$0x3F99];
	s0 =	simm.s32 @p1 $0x1  }
0x15: {  	[smem:$0x3FB6] =	sst s0;
	s0 =	simm.s32 @!p2 $0x0  }
0x16: {  	s3 =	sld [smem:$0x3FDB];
	s0 =	simm.s32 @p2 $0x1  }
0x17: {  	s4 =	simm.s32 $0x1BF5;
	[smem:$0x3FB8] =	sst s0  }
0x18: {  	s0 =	sld [smem:$0x3F9B];
	_ =	swait.ge [sflag:s4], $0x0  }
0x19: {  	s7 =	sld [smem:$0x3F9C]  }
0x1a: {  	s8 =	sadd.s32 $0xFFFFE003, lr  }
0x1b: {  	s9 =	sadd.s32 $0xFFFFFEF7, lr;
	s5 =	simm.s32 $0xFFFFFFFF;
	p2 =	slt.u32 s8, $0xFFFFF086  }
0x1c: {  	p1 =	slt.u32 s9, $0xF7A;
	s5 =	simm.s32 @!p2 $0x0  }
0x1d: {  	s5 =	simm.s32 @p1 $0x1;
	p0 =	seq.s32 s7, s2  }
0x1e: {  	s7 =	smul.u32 @!p0 $0xF7A, s2;
	p2 =	seq.s32 @!p0 s5, $0x0  }
0x1f: {  	s9 =	smul.u32 $0xF7A, s1;
	s8 =	simm.s32 @!p0 $0x1BF5;
	p2 =	por !p2, p0  }
0x20: {  	[sflag:s8] =	ssyncset.s32 @!p0 $0xFFFFF086;
	s6 =	sadd.s32 @!p0 s3, s7;
	s7 =	simm.s32 @!p0 $0x108  }
0x21: {  	s3 =	sadd.s32 s3, s9;
	s6 =	sadd.s32 @!p0 $0x88, s6;
	s7 =	simm.s32 @p2 $0x1082  }
0x22: {  	[simem:s7], [sflag:s8] =	dma.local @!p0 [hbm:s6], $0xF7A  }
0x23: {  	s9 =	sor.u32 $0xD0000000, s2;
	s6 =	simm.s32 $0x108;
	_ =	swait.ge @!p0 [sflag:s8], $0x0  }
0x24: {  	s3 =	sadd.s32 $0x88, s3;
	s6 =	simm.s32 @!p1 $0x1082;
	[sflag:s4] =	ssyncset.s32 $0xFFFFF086  }
0x25: {  	[simem:s6], [sflag:s4] =	dma.local [hbm:s3], $0xF7A  }
0x26: {  	[smem:$0x3F9C] =	sst s1;
	(tag) =	ssettag s2;
	_ =	strace s9  }
0x27: {  	s1 =	sld [smem:$0x3FAC]  }
0x28: {  	s2 =	sld [smem:$0x3FAD]  }
0x29: {  	s4 =	sld [smem:$0x3FAF]  }
0x2a: {  	p0 =	seq.s32 s5, $0x0;
	s5 =	sld [smem:$0x3FB0]  }
0x2b: {  	s6 =	sld [smem:$0x3FB1]  }
0x2c: {  	s7 =	sld [smem:$0x3FB2]  }
0x2d: {  	s3 =	simm.s32 $0x108;
	s8 =	sld [smem:$0x3FB3]  }
0x2e: {  	s3 =	simm.s32 @!p0 $0x1082;
	s9 =	sld [smem:$0x3FB4]  }
0x2f: {  	lr =	sadd.s32 s0, s3;
	s0 =	sld [smem:$0x3FAB]  }
0x30: {  	s3 =	sld [smem:$0x3FAE]  }
0x31: {  	[smem:$0x3FB7] =	sst s10  }
0x32: {  	s10 =	sld [smem:$0x3FB5];
	_ =	sdelay $0x3  }
0x33: {  	p0 =	seq.s32 s10, $0x1;
	s10 =	sld [smem:$0x3FB7];
	_ =	sdelay $0x3  }
0x34: {  	[smem:$0x3FB7] =	sst s10  }
0x35: {  	s10 =	sld [smem:$0x3FB6];
	_ =	sdelay $0x3  }
0x36: {  	p1 =	seq.s32 s10, $0x1;
	s10 =	sld [smem:$0x3FB7];
	_ =	sdelay $0x3  }
0x37: {  	[smem:$0x3FB7] =	sst s10  }
0x38: {  	s10 =	sld [smem:$0x3FB8]  }
0x39: {  	_ = 	snop;
	(pc) =	sbr.ind lr, $3  }
0x3a: {  	_ = 	snop  }
0x3b: {  	_ = 	snop  }
0x3c: {  	p2 =	seq.s32 s10, $0x1;
	s10 =	sld [smem:$0x3FB7]  }
0x3d: {  	_ =	shalt  }
0x3e: {  	_ =	shalt  }
0x3f: {  	_ =	shalt  }
0x40: {  	_ =	shalt  }
0x41: {  	_ =	shalt  }
0x42: {  	_ =	shalt  }
0x43: {  	_ =	shalt  }
0x44: {  	_ =	shalt  }
0x45: {  	_ =	shalt  }
0x46: {  	_ =	shalt  }
0x47: {  	_ =	shalt  }
0x48: {  	_ =	shalt  }
0x49: {  	_ =	shalt  }
0x4a: {  	_ =	shalt  }
0x4b: {  	_ =	shalt  }
0x4c: {  	_ =	shalt  }
0x4d: {  	_ =	shalt  }
0x4e: {  	_ =	shalt  }
0x4f: {  	_ =	shalt  }
0x50: {  	_ =	shalt  }
0x51: {  	_ =	shalt  }
0x52: {  	_ =	shalt  }
0x53: {  	_ =	shalt  }
0x54: {  	_ =	shalt  }
0x55: {  	_ =	shalt  }
0x56: {  	_ =	shalt  }
0x57: {  	_ =	shalt  }
0x58: {  	_ =	shalt  }
0x59: {  	_ =	shalt  }
0x5a: {  	_ =	shalt  }
0x5b: {  	_ =	shalt  }
0x5c: {  	_ =	shalt  }
0x5d: {  	_ =	shalt  }
0x5e: {  	_ =	shalt  }
0x5f: {  	_ =	shalt  }
0x60: {  	_ =	shalt  }
0x61: {  	_ =	shalt  }
0x62: {  	_ =	shalt  }
0x63: {  	_ =	shalt  }
0x64: {  	_ =	shalt  }
0x65: {  	_ =	shalt  }
0x66: {  	_ =	shalt  }
0x67: {  	_ =	shalt  }
0x68: {  	_ =	shalt  }
0x69: {  	_ =	shalt  }
0x6a: {  	_ =	shalt  }
0x6b: {  	_ =	shalt  }
0x6c: {  	_ =	shalt  }
0x6d: {  	_ =	shalt  }
0x6e: {  	_ =	shalt  }
0x6f: {  	_ =	shalt  }
0x70: {  	_ =	shalt  }
0x71: {  	_ =	shalt  }
0x72: {  	_ =	shalt  }
0x73: {  	_ =	shalt  }
0x74: {  	_ =	shalt  }
0x75: {  	_ =	shalt  }
0x76: {  	_ =	shalt  }
0x77: {  	_ =	shalt  }
0x78: {  	_ =	shalt  }
0x79: {  	_ =	shalt  }
0x7a: {  	_ =	shalt  }
0x7b: {  	_ =	shalt  }
0x7c: {  	_ =	shalt  }
0x7d: {  	_ =	shalt  }
0x7e: {  	_ =	shalt  }
0x7f: {  	_ =	shalt  }
0x80: {  	_ =	shalt  }
0x81: {  	_ =	shalt  }
0x82: {  	_ =	shalt  }
0x83: {  	_ =	shalt  }
0x84: {  	_ =	shalt  }
0x85: {  	_ =	shalt  }
0x86: {  	_ =	shalt  }
0x87: {  	_ =	shalt  }
.Lfunc_end0:
.L_simem_size_0:
called_computation.1_lowered:
.L_overlay_start_0:
0x88: {  	s2 =	sld [smem:$0x3FD9]  }
0x89: {  	s3 =	sld [smem:$0x3FFE];
	_ =	sdelay $0x1  }
0x8a: {  	s1 =	srdreg.scid  }
0x8b: {  	s0 =	sand.u32 $0x1, s1  }
0x8c: {  	s17 =	sshll.u32 s0, $0xA;
	s2 =	sadd.s32 s3, s2  }
0x8d: {  	s2 =	sadd.s32 s2, s17  }
0x8e: {  	[smem:$0x3FC3] =	sst s2  }
0x8f: {  	_ = 	snop  }
0x90: {  	s2 =	sld [smem:$0x3FD0];
	(tm) =	ssettm $0x1  }
0x91: {  	s18 =	sld [smem:$0x3FFB];
	_ =	sdelay $0x3  }
0x92: {  	_ =	strace s18  }
0x93: {  	s3 =	sld [smem:$0x3FFC];
	_ =	sdelay $0x3  }
0x94: {  	_ =	strace s3  }
0x95: {  	s3 =	sld [smem:$0x3FFD];
	_ =	sdelay $0x3  }
0x96: {  	_ =	strace s3  }
0x97: {  	_ =	strace $0x8FFFFFFF  }
0x98: {  	s19 =	sld [smem:$0x3FDB];
	_ =	sdelay $0x1  }
0x99: {  	s4 =	simm.s32 $_scs_section_size  }
0x9a: {  	s5 =	simm.s32 $_size__tile_overlayer_lowered;
	s6 =	simm.s32 $_tile_overlayer_lowered  }
0x9b: {  	s22 =	simm.s32 $0x1BFF;
	s21 =	sshll.u32 s6, $0x1;
	s3 =	sadd.s32 s4, s19  }
0x9c: {  	s7 =	simm.s32 $0x0;
	s20 =	sshll.u32 s5, $0x1;
	s5 =	sadd.s32 s21, s3  }
0x9d: {  	[timem:s7], [sflag:s22] =	dma.local [hbm:s5], s20  }
0x9e: {  	_ =	swait.ge [sflag:s22], s20  }
0x9f: {  	s4 =	ssub.s32 $0x0, s20;
	[sflag:s22] =	ssyncset.done $0x0  }
0xa0: {  	[sflag:s22] =	ssyncadd.s32 s4;
	_ =	sdelay $0x1  }
0xa1: {  	s23 =	simm.s32 $0x1B8B  }
0xa2: {  	_ =	swait.ge [sflag:s23], $0x1  }
0xa3: {  	[sflag:s23] =	ssyncset.done $0x0  }
0xa4: {  	s25 =	simm.s32 $0x1B8E;
	s24 =	sld [smem:$0x3FFE];
	[sflag:s23] =	ssyncadd.s32 $0xFFFFFFFF  }
0xa5: {  	s26 =	simm.s32 $execute0_lowered;
	[smem:$0x3FD2] =	sst s25  }
0xa6: {  	s5 =	sshll.u32 s26, $0x1;
	_ =	strace $0x80000049;
	[dreg:$0x1] =	wrdreg $0xFFFFFFFF  }
0xa7: {  	s28 =	simm.s32 $_size_execute0_lowered;
	s3 =	sadd.s32 s3, s5;
	[dreg:$0x0] =	wrdreg $0x0  }
0xa8: {  	s5 =	sshll.u32 s28, $0x1;
	[dreg:$0x2] =	wrdreg s3  }
0xa9: {  	[dreg:$0x3] =	wrdreg s5  }
0xaa: {  	[dreg:$0x4] =	wrdreg $0xC0  }
0xab: {  	_ =	task [dreg:s7], $0x5FFFF  }
0xac: {  	[dreg:$0x1] =	wrdreg $0xFFFFFFFF  }
0xad: {  	[dreg:$0x0] =	wrdreg $0x60  }
0xae: {  	[dreg:$0x2] =	wrdreg s24  }
0xaf: {  	[dreg:$0x3] =	wrdreg s2  }
0xb0: {  	[dreg:$0x4] =	wrdreg $0x9  }
0xb1: {  	_ =	task.clear_ibuf [dreg:s7], $0x5FFFF;
	_ =	strace $0x90000049  }
0xb2: {  	s29 =	simm.s32 $0x9;
	_ =	strace $0x8000004B  }
0xb3: {  	_ =	swait.ge [sflag:s29], $0x1  }
0xb4: {  	[sflag:s29] =	ssyncadd.s32 $0xFFFFFFFF  }
0xb5: {  	_ =	strace $0x9000004B  }
0xb6: {  	_ =	sfence  }
0xb7: {  	s30 =	sld [smem:$0x0];
	_ =	sdelay $0x2  }
0xb8: {  	s31 =	sshll.u32 s1, $0xD;
	s1 =	sshrl.u32 s1, $0x2  }
0xb9: {  	s3 =	sand.u32 $0x4000, s31;
	s1 =	sadd.s32 s1, s30  }
0xba: {  	s0 =	sor.u32 s3, s0;
	s1 =	sshll.u32 s1, $0x11  }
0xbb: {  	s0 =	sor.u32 s1, s0  }
0xbc: {  	s0 =	sadd.s32 $0x8F2B, s0  }
0xbd: {  	[sflag:s0] =	ssyncadd.remote.s32 $0x1  }
0xbe: {  	_ =	sfence.sel $0xFFFF  }
0xbf: {  	[dreg:$0x0] =	wrdreg $0xFFFFFFFF;
	(pc) =	sbr.abs _section_cstart, $3  }
0xc0: {  	[dreg:$0x1] =	wrdreg $0xFFFFFFFF  }
0xc1: {  	_ =	task.clear_ibuf [dreg:s7], $0x2FFFF;
	_ =	strace $0x9FFFFFFF  }
0xc2: {  	(tm) =	ssettm $0x7FFFFFFF  }
0xc3: {  	_ =	shalt  }
tec
execute0_lowered:
.L_overlay_start_1:
0x0: {  	(tag) =	ssettag $0x1  }
0x1: {  	s2 =	srdreg.scid;
	s1 =	rddreg [dreg:$0x0]  }
0x2: {  	s3 =	rddreg [dreg:$0x1];
	s4 =	sand.u32 $0x1, s2;
	s2 =	simm.s32 $0x0  }
0x3: {  	s0 =	stileid.u32;
	s25 =	simm.s32 $0x880;
	[smem:$0x7FF] =	sst s2  }
0x4: {  	s26 =	simm.s32 $0x1080;
	_ =	strace $0x8000004A;
	[dreg:$0x5] =	wrdreg s25  }
0x5: {  	s5 =	sshll.u32 s0, $0x5;
	s0 =	simm.s32 $0x1880;
	[dreg:$0x6] =	wrdreg s26  }
0x6: {  	s7 =	simm.s32 $0x3080;
	[dreg:$0x7] =	wrdreg s0  }
0x7: {  	s8 =	simm.s32 $0x3880;
	[dreg:$0xa] =	wrdreg s7  }
0x8: {  	s9 =	simm.s32 $0x4080;
	[dreg:$0xb] =	wrdreg s8  }
0x9: {  	s10 =	simm.s32 $0x4880;
	[dreg:$0xc] =	wrdreg s9  }
0xa: {  	s11 =	simm.s32 $0x5080;
	[dreg:$0xd] =	wrdreg s10  }
0xb: {  	s12 =	simm.s32 $0x5880;
	[dreg:$0xe] =	wrdreg s11  }
0xc: {  	s13 =	simm.s32 $0x6080;
	[dreg:$0xf] =	wrdreg s12  }
0xd: {  	s14 =	simm.s32 $0x6880;
	[dreg:$0x10] =	wrdreg s13  }
0xe: {  	s15 =	simm.s32 $0x7080;
	[dreg:$0x11] =	wrdreg s14  }
0xf: {  	s16 =	simm.s32 $0x7880;
	s17 =	simm.s32 $0x8080;
	[dreg:$0x12] =	wrdreg s15  }
0x10: {  	s18 =	simm.s32 $0x8880;
	s19 =	simm.s32 $0x9080;
	[dreg:$0x13] =	wrdreg s16  }
0x11: {  	s21 =	simm.s32 $0x9880;
	s22 =	simm.s32 $0xA080;
	[dreg:$0x14] =	wrdreg s17  }
0x12: {  	s23 =	simm.s32 $0xB080;
	s24 =	simm.s32 $0xB880;
	[dreg:$0x15] =	wrdreg s18  }
0x13: {  	s28 =	simm.s32 $0x16080;
	s29 =	simm.s32 $0x16880;
	[dreg:$0x16] =	wrdreg s19  }
0x14: {  	s30 =	simm.s32 $0x17080;
	s31 =	simm.s32 $0x17880;
	[dreg:$0x17] =	wrdreg s21  }
0x15: {  	s6 =	sshll.u32 s4, $0x4;
	s4 =	ssub.s32 $0x2, s4;
	[dreg:$0x18] =	wrdreg s22  }
0x16: {  	s5 =	sor.u32 s6, s5;
	s20 =	sshrl.u32 s4, $0x1;
	[dreg:$0x1a] =	wrdreg s23  }
0x17: {  	s7 =	simm.s32 $0xA880;
	[dreg:$0x1b] =	wrdreg s24;
	s25 =	simm.s32 $0xC080  }
0x18: {  	s8 =	simm.s32 $0x80;
	s26 =	simm.s32 $0xC880;
	s10 =	simm.s32 $0xD880  }
0x19: {  	s11 =	simm.s32 $0xE080;
	s12 =	simm.s32 $0xE880;
	s13 =	simm.s32 $0xF080  }
0x1a: {  	s14 =	simm.s32 $0xF880;
	s15 =	simm.s32 $0x10080;
	s16 =	simm.s32 $0x10880  }
0x1b: {  	s17 =	simm.s32 $0x11080;
	s18 =	simm.s32 $0x11880;
	s19 =	simm.s32 $0x12080  }
0x1c: {  	s21 =	simm.s32 $0x13080;
	s22 =	simm.s32 $0x13880;
	[dreg:$0x19] =	wrdreg s7  }
0x1d: {  	s6 =	sadd.s32 s5, s1;
	s5 =	smul.u32 $0x300, s5;
	[dreg:$0x1c] =	wrdreg s25  }
0x1e: {  	s23 =	simm.s32 $0x14080;
	[dreg:$0x1d] =	wrdreg s26;
	s6 =	sadd.s32 $0x1400, s6  }
0x1f: {  	s24 =	simm.s32 $0x14880;
	[dreg:$0x3] =	wrdreg s6;
	s3 =	sadd.s32 s3, s5  }
0x20: {  	s7 =	simm.s32 $0x2;
	s5 =	simm.s32 $0x2080;
	[dreg:$0x4] =	wrdreg s3  }
0x21: {  	s25 =	simm.s32 $0x15080;
	s6 =	simm.s32 $0x2880;
	[dreg:$0x8] =	wrdreg s5  }
0x22: {  	v2 =	vlaneseq.u32;
	s26 =	simm.s32 $0x15880;
	[dreg:$0x9] =	wrdreg s6;
	s3 =	sadd.s32 $0x91800, s1  }
0x23: {  	vm0 =	vmmov $0xffff;
	v1 =	vshrl.u32 v2, $0x3;
	s6 =	ssub.s32 s4, s20;
	s4 =	sadd.s32 $0x91900, s1;
	s5 =	sadd.s32 $0x91A00, s1  }
0x24: {  	v0 =	vand.u32 $0x7, v2;
	v2 =	vor.u32 $0x8, v2;
	v1 =	vmul.u32 $0x8, v1;
	s20 =	simm.s32 $0x12880;
	s1 =	simm.s32 $0x1;
	s6 =	smax.u32 s6, $0x1  }
.LBB2_1:
0x25: {  	s0 =	rddreg [dreg:$0x3]  }
0x26: {  	[tilespmem:s2], [sflag:$0x2] =	stream.linear.gather [hbm4b:s0+s2], $0x80, $0x38;
	[tilespmem:$0x18080] =	vst v63  }
0x27: {  	_ =	swait.ge [sflag:s7], $0x80  }
0x28: {  	[sflag:s7] =	ssyncset.done $0x0  }
0x29: {  	[sflag:s7] =	ssyncadd.s32 $0xFFFFFF80  }
0x2a: {  	v3 =	vld [tilespmem:$0x0];
	_ =	sdelay $0x4  }
0x2b: {  	v4 =	vshrl.u32 v3, $0x3  }
0x2c: {  	v4 =	vmul.u32 $0x30, v4  }
0x2d: {  	v3 =	vand.u32 $0x7, v3  }
0x2e: {  	v3 =	vor.u32 v3, v4  }
0x2f: {  	v4 =	vperm.xlane v3, v0;
	_ =	sdelay $0x1  }
0x30: {  	v4 =	vadd.s32 v1, v4;
	_ =	sdelay $0x3  }
0x31: {  	v3 =	vperm.xlane v3, v2  }
0x32: {  	[tilespmem:s8], [sflag:$0x1] =	stream.indirect_vreg.gather [hbm4b:s3+s2], $0x80, v4, vm0, $0xb8;
	[tilespmem:$0x18080] =	vst v63  }
0x33: {  	s0 =	rddreg [dreg:$0x5];
	v3 =	vadd.s32 v1, v3  }
0x34: {  	[tilespmem:s0], [sflag:$0x1] =	stream.indirect_vreg.gather [hbm4b:s4+s2], $0x80, v4, vm0, $0xb8;
	[tilespmem:$0x18080] =	vst v63  }
0x35: {  	s9 =	rddreg [dreg:$0x6]  }
0x36: {  	[tilespmem:s9], [sflag:$0x1] =	stream.indirect_vreg.gather [hbm4b:s5+s2], $0x80, v4, vm0, $0xb8;
	[tilespmem:$0x18080] =	vst v63  }
0x37: {  	s0 =	rddreg [dreg:$0x7]  }
0x38: {  	[tilespmem:s0], [sflag:$0x1] =	stream.indirect_vreg.gather [hbm4b:s3+s2], $0x80, v3, vm0, $0xb8;
	[tilespmem:$0x18080] =	vst v63  }
0x39: {  	s9 =	rddreg [dreg:$0x8]  }
0x3a: {  	[tilespmem:s9], [sflag:$0x1] =	stream.indirect_vreg.gather [hbm4b:s4+s2], $0x80, v3, vm0, $0xb8;
	[tilespmem:$0x18080] =	vst v63  }
0x3b: {  	s0 =	rddreg [dreg:$0x9]  }
0x3c: {  	[tilespmem:s0], [sflag:$0x1] =	stream.indirect_vreg.gather [hbm4b:s5+s2], $0x80, v3, vm0, $0xb8;
	[tilespmem:$0x18080] =	vst v63  }
0x3d: {  	v3 =	vld [tilespmem:$0x10];
	_ =	sdelay $0x4  }
0x3e: {  	v57 =	vshrl.u32 v3, $0x3  }
0x3f: {  	v4 =	vmul.u32 $0x30, v57  }
0x40: {  	v3 =	vand.u32 $0x7, v3  }
0x41: {  	v3 =	vor.u32 v3, v4  }
0x42: {  	v4 =	vperm.xlane v3, v0;
	_ =	sdelay $0x1  }
0x43: {  	v4 =	vadd.s32 v1, v4;
	_ =	sdelay $0x3  }
0x44: {  	s0 =	rddreg [dreg:$0xa];
	v3 =	vperm.xlane v3, v2  }
0x45: {  	[tilespmem:s0], [sflag:$0x1] =	stream.indirect_vreg.gather [hbm4b:s3+s2], $0x80, v4, vm0, $0xb8;
	[tilespmem:$0x18080] =	vst v63  }
0x46: {  	s9 =	rddreg [dreg:$0xb];
	v3 =	vadd.s32 v1, v3  }
0x47: {  	[tilespmem:s9], [sflag:$0x1] =	stream.indirect_vreg.gather [hbm4b:s4+s2], $0x80, v4, vm0, $0xb8;
	[tilespmem:$0x18080] =	vst v63  }
0x48: {  	s0 =	rddreg [dreg:$0xc]  }
0x49: {  	[tilespmem:s0], [sflag:$0x1] =	stream.indirect_vreg.gather [hbm4b:s5+s2], $0x80, v4, vm0, $0xb8;
	[tilespmem:$0x18080] =	vst v63  }
0x4a: {  	s9 =	rddreg [dreg:$0xd]  }
0x4b: {  	[tilespmem:s9], [sflag:$0x1] =	stream.indirect_vreg.gather [hbm4b:s3+s2], $0x80, v3, vm0, $0xb8;
	[tilespmem:$0x18080] =	vst v63  }
0x4c: {  	s0 =	rddreg [dreg:$0xe]  }
0x4d: {  	[tilespmem:s0], [sflag:$0x1] =	stream.indirect_vreg.gather [hbm4b:s4+s2], $0x80, v3, vm0, $0xb8;
	[tilespmem:$0x18080] =	vst v63  }
0x4e: {  	s9 =	rddreg [dreg:$0xf]  }
0x4f: {  	[tilespmem:s9], [sflag:$0x1] =	stream.indirect_vreg.gather [hbm4b:s5+s2], $0x80, v3, vm0, $0xb8;
	[tilespmem:$0x18080] =	vst v63  }
0x50: {  	v3 =	vld [tilespmem:$0x20];
	_ =	sdelay $0x4  }
0x51: {  	v58 =	vshrl.u32 v3, $0x3  }
0x52: {  	v4 =	vmul.u32 $0x30, v58  }
0x53: {  	v3 =	vand.u32 $0x7, v3  }
0x54: {  	v3 =	vor.u32 v3, v4  }
0x55: {  	v4 =	vperm.xlane v3, v0;
	_ =	sdelay $0x1  }
0x56: {  	v4 =	vadd.s32 v1, v4;
	_ =	sdelay $0x3  }
0x57: {  	s0 =	rddreg [dreg:$0x10];
	v3 =	vperm.xlane v3, v2  }
0x58: {  	[tilespmem:s0], [sflag:$0x1] =	stream.indirect_vreg.gather [hbm4b:s3+s2], $0x80, v4, vm0, $0xb8;
	[tilespmem:$0x18080] =	vst v63  }
0x59: {  	s9 =	rddreg [dreg:$0x11];
	v3 =	vadd.s32 v1, v3  }
0x5a: {  	[tilespmem:s9], [sflag:$0x1] =	stream.indirect_vreg.gather [hbm4b:s4+s2], $0x80, v4, vm0, $0xb8;
	[tilespmem:$0x18080] =	vst v63  }
0x5b: {  	s0 =	rddreg [dreg:$0x12]  }
0x5c: {  	[tilespmem:s0], [sflag:$0x1] =	stream.indirect_vreg.gather [hbm4b:s5+s2], $0x80, v4, vm0, $0xb8;
	[tilespmem:$0x18080] =	vst v63  }
0x5d: {  	s9 =	rddreg [dreg:$0x13]  }
0x5e: {  	[tilespmem:s9], [sflag:$0x1] =	stream.indirect_vreg.gather [hbm4b:s3+s2], $0x80, v3, vm0, $0xb8;
	[tilespmem:$0x18080] =	vst v63  }
0x5f: {  	s0 =	rddreg [dreg:$0x14]  }
0x60: {  	[tilespmem:s0], [sflag:$0x1] =	stream.indirect_vreg.gather [hbm4b:s4+s2], $0x80, v3, vm0, $0xb8;
	[tilespmem:$0x18080] =	vst v63  }
0x61: {  	s9 =	rddreg [dreg:$0x15]  }
0x62: {  	[tilespmem:s9], [sflag:$0x1] =	stream.indirect_vreg.gather [hbm4b:s5+s2], $0x80, v3, vm0, $0xb8;
	[tilespmem:$0x18080] =	vst v63  }
0x63: {  	v3 =	vld [tilespmem:$0x30];
	_ =	sdelay $0x4  }
0x64: {  	v59 =	vshrl.u32 v3, $0x3  }
0x65: {  	v4 =	vmul.u32 $0x30, v59  }
0x66: {  	v3 =	vand.u32 $0x7, v3  }
0x67: {  	v3 =	vor.u32 v3, v4  }
0x68: {  	v4 =	vperm.xlane v3, v0;
	_ =	sdelay $0x1  }
0x69: {  	v4 =	vadd.s32 v1, v4;
	_ =	sdelay $0x3  }
0x6a: {  	s0 =	rddreg [dreg:$0x16];
	v3 =	vperm.xlane v3, v2  }
0x6b: {  	[tilespmem:s0], [sflag:$0x1] =	stream.indirect_vreg.gather [hbm4b:s3+s2], $0x80, v4, vm0, $0xb8;
	[tilespmem:$0x18080] =	vst v63  }
0x6c: {  	s9 =	rddreg [dreg:$0x17];
	v3 =	vadd.s32 v1, v3  }
0x6d: {  	[tilespmem:s9], [sflag:$0x1] =	stream.indirect_vreg.gather [hbm4b:s4+s2], $0x80, v4, vm0, $0xb8;
	[tilespmem:$0x18080] =	vst v63  }
0x6e: {  	s0 =	rddreg [dreg:$0x18]  }
0x6f: {  	[tilespmem:s0], [sflag:$0x1] =	stream.indirect_vreg.gather [hbm4b:s5+s2], $0x80, v4, vm0, $0xb8;
	[tilespmem:$0x18080] =	vst v63  }
0x70: {  	s9 =	rddreg [dreg:$0x19]  }
0x71: {  	[tilespmem:s9], [sflag:$0x1] =	stream.indirect_vreg.gather [hbm4b:s3+s2], $0x80, v3, vm0, $0xb8;
	[tilespmem:$0x18080] =	vst v63  }
0x72: {  	s0 =	rddreg [dreg:$0x1a]  }
0x73: {  	[tilespmem:s0], [sflag:$0x1] =	stream.indirect_vreg.gather [hbm4b:s4+s2], $0x80, v3, vm0, $0xb8;
	[tilespmem:$0x18080] =	vst v63  }
0x74: {  	s9 =	rddreg [dreg:$0x1b]  }
0x75: {  	[tilespmem:s9], [sflag:$0x1] =	stream.indirect_vreg.gather [hbm4b:s5+s2], $0x80, v3, vm0, $0xb8;
	[tilespmem:$0x18080] =	vst v63  }
0x76: {  	v3 =	vld [tilespmem:$0x40];
	_ =	sdelay $0x4  }
0x77: {  	v60 =	vshrl.u32 v3, $0x3  }
0x78: {  	v4 =	vmul.u32 $0x30, v60  }
0x79: {  	v3 =	vand.u32 $0x7, v3  }
0x7a: {  	v3 =	vor.u32 v3, v4  }
0x7b: {  	v4 =	vperm.xlane v3, v0;
	_ =	sdelay $0x1  }
0x7c: {  	v4 =	vadd.s32 v1, v4;
	_ =	sdelay $0x3  }
0x7d: {  	s0 =	rddreg [dreg:$0x1c];
	v3 =	vperm.xlane v3, v2  }
0x7e: {  	[tilespmem:s0], [sflag:$0x1] =	stream.indirect_vreg.gather [hbm4b:s3+s2], $0x80, v4, vm0, $0xb8;
	[tilespmem:$0x18080] =	vst v63  }
0x7f: {  	s9 =	rddreg [dreg:$0x1d];
	v3 =	vadd.s32 v1, v3  }
0x80: {  	[tilespmem:s9], [sflag:$0x1] =	stream.indirect_vreg.gather [hbm4b:s4+s2], $0x80, v4, vm0, $0xb8;
	[tilespmem:$0x18080] =	vst v63  }
0x81: {  	s9 =	simm.s32 $0xD080  }
0x82: {  	[tilespmem:s9], [sflag:$0x1] =	stream.indirect_vreg.gather [hbm4b:s5+s2], $0x80, v4, vm0, $0xb8;
	[tilespmem:$0x18080] =	vst v63  }
0x83: {  	_ = 	snop  }
0x84: {  	[tilespmem:s10], [sflag:$0x1] =	stream.indirect_vreg.gather [hbm4b:s3+s2], $0x80, v3, vm0, $0xb8;
	[tilespmem:$0x18080] =	vst v63  }
0x85: {  	_ = 	snop  }
0x86: {  	[tilespmem:s11], [sflag:$0x1] =	stream.indirect_vreg.gather [hbm4b:s4+s2], $0x80, v3, vm0, $0xb8;
	[tilespmem:$0x18080] =	vst v63  }
0x87: {  	_ = 	snop  }
0x88: {  	[tilespmem:s12], [sflag:$0x1] =	stream.indirect_vreg.gather [hbm4b:s5+s2], $0x80, v3, vm0, $0xb8;
	[tilespmem:$0x18080] =	vst v63  }
0x89: {  	v3 =	vld [tilespmem:$0x50];
	_ =	sdelay $0x4  }
0x8a: {  	v61 =	vshrl.u32 v3, $0x3  }
0x8b: {  	v4 =	vmul.u32 $0x30, v61  }
0x8c: {  	v3 =	vand.u32 $0x7, v3  }
0x8d: {  	v3 =	vor.u32 v3, v4  }
0x8e: {  	v4 =	vperm.xlane v3, v0;
	_ =	sdelay $0x1  }
0x8f: {  	v4 =	vadd.s32 v1, v4;
	_ =	sdelay $0x3  }
0x90: {  	v3 =	vperm.xlane v3, v2  }
0x91: {  	[tilespmem:s13], [sflag:$0x1] =	stream.indirect_vreg.gather [hbm4b:s3+s2], $0x80, v4, vm0, $0xb8;
	[tilespmem:$0x18080] =	vst v63  }
0x92: {  	v3 =	vadd.s32 v1, v3  }
0x93: {  	[tilespmem:s14], [sflag:$0x1] =	stream.indirect_vreg.gather [hbm4b:s4+s2], $0x80, v4, vm0, $0xb8;
	[tilespmem:$0x18080] =	vst v63  }
0x94: {  	_ = 	snop  }
0x95: {  	[tilespmem:s15], [sflag:$0x1] =	stream.indirect_vreg.gather [hbm4b:s5+s2], $0x80, v4, vm0, $0xb8;
	[tilespmem:$0x18080] =	vst v63  }
0x96: {  	_ = 	snop  }
0x97: {  	[tilespmem:s16], [sflag:$0x1] =	stream.indirect_vreg.gather [hbm4b:s3+s2], $0x80, v3, vm0, $0xb8;
	[tilespmem:$0x18080] =	vst v63  }
0x98: {  	_ = 	snop  }
0x99: {  	[tilespmem:s17], [sflag:$0x1] =	stream.indirect_vreg.gather [hbm4b:s4+s2], $0x80, v3, vm0, $0xb8;
	[tilespmem:$0x18080] =	vst v63  }
0x9a: {  	_ = 	snop  }
0x9b: {  	[tilespmem:s18], [sflag:$0x1] =	stream.indirect_vreg.gather [hbm4b:s5+s2], $0x80, v3, vm0, $0xb8;
	[tilespmem:$0x18080] =	vst v63  }
0x9c: {  	v3 =	vld [tilespmem:$0x60];
	_ =	sdelay $0x4  }
0x9d: {  	v62 =	vshrl.u32 v3, $0x3  }
0x9e: {  	v4 =	vmul.u32 $0x30, v62  }
0x9f: {  	v3 =	vand.u32 $0x7, v3  }
0xa0: {  	v3 =	vor.u32 v3, v4  }
0xa1: {  	v4 =	vperm.xlane v3, v0;
	_ =	sdelay $0x1  }
0xa2: {  	v4 =	vadd.s32 v1, v4;
	_ =	sdelay $0x3  }
0xa3: {  	v3 =	vperm.xlane v3, v2  }
0xa4: {  	[tilespmem:s19], [sflag:$0x1] =	stream.indirect_vreg.gather [hbm4b:s3+s2], $0x80, v4, vm0, $0xb8;
	[tilespmem:$0x18080] =	vst v63  }
0xa5: {  	v3 =	vadd.s32 v1, v3  }
0xa6: {  	[tilespmem:s20], [sflag:$0x1] =	stream.indirect_vreg.gather [hbm4b:s4+s2], $0x80, v4, vm0, $0xb8;
	[tilespmem:$0x18080] =	vst v63  }
0xa7: {  	_ = 	snop  }
0xa8: {  	[tilespmem:s21], [sflag:$0x1] =	stream.indirect_vreg.gather [hbm4b:s5+s2], $0x80, v4, vm0, $0xb8;
	[tilespmem:$0x18080] =	vst v63  }
0xa9: {  	_ = 	snop  }
0xaa: {  	[tilespmem:s22], [sflag:$0x1] =	stream.indirect_vreg.gather [hbm4b:s3+s2], $0x80, v3, vm0, $0xb8;
	[tilespmem:$0x18080] =	vst v63  }
0xab: {  	_ = 	snop  }
0xac: {  	[tilespmem:s23], [sflag:$0x1] =	stream.indirect_vreg.gather [hbm4b:s4+s2], $0x80, v3, vm0, $0xb8;
	[tilespmem:$0x18080] =	vst v63  }
0xad: {  	_ = 	snop  }
0xae: {  	[tilespmem:s24], [sflag:$0x1] =	stream.indirect_vreg.gather [hbm4b:s5+s2], $0x80, v3, vm0, $0xb8;
	[tilespmem:$0x18080] =	vst v63  }
0xaf: {  	v3 =	vld [tilespmem:$0x70];
	_ =	sdelay $0x4  }
0xb0: {  	v63 =	vshrl.u32 v3, $0x3  }
0xb1: {  	v4 =	vmul.u32 $0x30, v63  }
0xb2: {  	v3 =	vand.u32 $0x7, v3  }
0xb3: {  	v3 =	vor.u32 v3, v4  }
0xb4: {  	v4 =	vperm.xlane v3, v0;
	_ =	sdelay $0x1  }
0xb5: {  	v4 =	vadd.s32 v1, v4;
	_ =	sdelay $0x3  }
0xb6: {  	v3 =	vperm.xlane v3, v2  }
0xb7: {  	[tilespmem:s25], [sflag:$0x1] =	stream.indirect_vreg.gather [hbm4b:s3+s2], $0x80, v4, vm0, $0xb8;
	[tilespmem:$0x18080] =	vst v63  }
0xb8: {  	v3 =	vadd.s32 v1, v3  }
0xb9: {  	[tilespmem:s26], [sflag:$0x1] =	stream.indirect_vreg.gather [hbm4b:s4+s2], $0x80, v4, vm0, $0xb8;
	[tilespmem:$0x18080] =	vst v63  }
0xba: {  	_ = 	snop  }
0xbb: {  	[tilespmem:s28], [sflag:$0x1] =	stream.indirect_vreg.gather [hbm4b:s5+s2], $0x80, v4, vm0, $0xb8;
	[tilespmem:$0x18080] =	vst v63  }
0xbc: {  	_ = 	snop  }
0xbd: {  	[tilespmem:s29], [sflag:$0x1] =	stream.indirect_vreg.gather [hbm4b:s3+s2], $0x80, v3, vm0, $0xb8;
	[tilespmem:$0x18080] =	vst v63  }
0xbe: {  	_ = 	snop  }
0xbf: {  	[tilespmem:s30], [sflag:$0x1] =	stream.indirect_vreg.gather [hbm4b:s4+s2], $0x80, v3, vm0, $0xb8;
	[tilespmem:$0x18080] =	vst v63  }
0xc0: {  	_ = 	snop  }
0xc1: {  	[tilespmem:s31], [sflag:$0x1] =	stream.indirect_vreg.gather [hbm4b:s5+s2], $0x80, v3, vm0, $0xb8;
	[tilespmem:$0x18080] =	vst v63  }
0xc2: {  	_ =	swait.ge [sflag:s1], $0x18000  }
0xc3: {  	p0 =	sne.s32 s6, $0x1;
	[sflag:s1] =	ssyncset.done $0x0  }
.Ltmp0:
0xc4: {  	s9 =	rddreg [dreg:$0x4];
	[sflag:s1] =	ssyncadd.s32 $0xFFFE8000;
	(pc) =	sbr.rel @p0 .LBB2_1-.Ltmp0, $4  }
0xc5: {  	[hbm4b:s9+s2] =	stream.linear.scatter [tilespmem:s8], [sflag:$0x2], $0x18000, $0x38;
	[tilespmem:$0x18080] =	vst v63  }
0xc6: {  	_ =	swait.ge [sflag:s7], $0x18000  }
0xc7: {  	[sflag:s7] =	ssyncset.done $0x0  }
0xc8: {  	s6 =	sadd.s32 $0xFFFFFFFF, s6;
	[sflag:s7] =	ssyncadd.s32 $0xFFFE8000  }
0xc9: {  	_ =	sfence.sel $0x180000  }
0xca: {  	[bflag:$0x0] =	sbarrier.arrive $0xFFFF  }
0xcb: {  	_ =	strace $0x9000004A  }
0xcc: {  	s0 =	stileid.u32;
	[bflag:$0x2] =	sbarrier.arrive $0xFFFF  }
0xcd: {  	p0 =	sne.s32 s0, $0x0;
	s0 =	rddreg [dreg:$0x2]  }
0xce: {  	s0 =	sadd.s32 @!p0 $0x100000, s0  }
0xcf: {  	[sflag:s0] =	ssyncadd.tile.s32 @!p0 $0x1;
	_ =	shalt  }
.Lfunc_end2:
_tile_overlayer_lowered:
.L_overlay_start_2:
0xd0: {  	(tag) =	ssettag $0x2  }
0xd1: {  	s0 =	rddreg [dreg:$0x0];
	s2 =	stileid.u32  }
0xd2: {  	s1 =	rddreg [dreg:$0x1];
	p0 =	sne.s32 s2, $0x0  }
0xd3: {  	s3 =	rddreg [dreg:$0x2];
	[bflag:$0x3] =	sbarrier.arrive $0xFFFF;
	s2 =	simm.s32 @!p0 $0x1C02  }
0xd4: {  	[timem:s3], [sflag:s2] =	dma.local @!p0 [hbm:s0], s1  }
0xd5: {  	s0 =	simm.s32 @!p0 $0x2  }
0xd6: {  	_ =	swait.ge @!p0 [sflag:s0], s1  }
0xd7: {  	s1 =	ssub.s32 @!p0 $0x0, s1;
	[sflag:s0] =	ssyncset.done @!p0 $0x0  }
0xd8: {  	[sflag:s0] =	ssyncadd.s32 @!p0 s1  }
0xd9: {  	[bflag:$0x3] =	sbarrier.arrive $0xFFFF  }
0xda: {  	_ =	shalt  }

</sc_bundles>
